<compile_context>
chip_gen: v7x
topology: tpu7x:2x2x1
jax: 0.10.2.dev20260603
libtpu: 0.0.44.dev20260713+nightly
codegen_flags: <defaults>
</compile_context>

<pallas_src>
import jax
import jax.numpy as jnp
from jax import lax
from jax.experimental import pallas as pl
from jax.experimental.pallas import tpu as pltpu
from jax.experimental.pallas import tpu_sc as plsc

NC, NS, L = 2, 16, 16
NW = NC * NS

B, D = 16384, 128
KQ = 7
RW = B // NW
C = 128
NCHUNK = RW // C
IDXW = KQ * RW


def _body(xi_hbm, tab_hbm, out_hbm, idx_v, acc, sem, sem_add):
    wid = lax.axis_index("s") * NC + lax.axis_index("c")
    w_base = wid * RW

    pltpu.sync_copy(xi_hbm.at[pl.ds(wid * IDXW, IDXW)], idx_v)

    first = [
        pltpu.async_copy(
            tab_hbm.at[0].at[idx_v.at[pl.ds(ci * C, C)]],
            acc.at[pl.ds(ci * C, C)],
            sem,
        )
        for ci in range(NCHUNK)
    ]
    rest = []
    for ci in range(NCHUNK):
        first[ci].wait()
        rest += [
            pltpu.async_copy(
                tab_hbm.at[k].at[idx_v.at[pl.ds(k * RW + ci * C, C)]],
                acc.at[pl.ds(ci * C, C)],
                sem_add,
                add=True,
            )
            for k in range(1, KQ)
        ]
    for c in rest:
        c.wait()

    pltpu.sync_copy(acc, out_hbm.at[pl.ds(w_base, RW)])


def kernel(xi, tables):
    xi_t = xi.astype(jnp.int32).T[:KQ]
    xi_w = xi_t.reshape(KQ, NW, RW).transpose(1, 0, 2).reshape(-1)

    mesh = plsc.VectorSubcoreMesh(
        core_axis_name="c", subcore_axis_name="s",
        num_cores=NC, num_subcores=NS,
    )
    f = pl.kernel(
        _body,
        out_type=jax.ShapeDtypeStruct((B, D), tables.dtype),
        mesh=mesh,
        scratch_types=[
            pltpu.VMEM((IDXW,), jnp.int32),
            pltpu.VMEM((RW, D), jnp.float32),
            pltpu.SemaphoreType.DMA,
            pltpu.SemaphoreType.DMA,
        ],
    )
    return f(xi_w, tables)

# --- scband reference (transcript-rebuilt; emitter-appended) ---
"""Pipeline reference for scband-audio-embedding-25580825215194 (READ-ONLY COPY).

The authoritative reference and input builder live on the scoring server;
editing this copy changes nothing except your own understanding.
"""

import jax, jax.numpy as jnp
import numpy as np


def setup_inputs(seed: int = 0) -> dict:
    key = jax.random.key(seed)
    k1, k2 = jax.random.split(key)
    # xi: token indices for 8 residual quantizer levels
    xi = jax.random.randint(k1, (16384, 8), 0, 1000)
    # 8 embedding tables, each [1000, 128], stacked (all same shape here)
    tables = jax.random.normal(k2, (8, 1000, 128), dtype=jnp.float32) * 0.02
    return {"xi": xi, "tables": tables}


def reference(xi, tables):
    # quant_level = xi.shape[-1] - 1; sums=True and quant_level > 0, so
    # x = sum_{k=0}^{quant_level-1} embeddings[k](xi[:, k])  (offset=0)
    quant_level = xi.shape[-1] - 1
    x = jnp.zeros((xi.shape[0], tables.shape[-1]), dtype=tables.dtype)
    for k in range(quant_level):
        x = x + jnp.take(tables[k], xi[:, k], axis=0)
    return x

if __name__ == "__main__":
    import jax
    _d = setup_inputs()
    print(jax.jit(kernel)(*tuple(_d.values())))

</pallas_src>

<mosaic_0001>
#map = affine_map<(d0, d1) -> (0)>
#map1 = affine_map<(d0, d1) -> (0, 0, 0)>
#map2 = affine_map<(d0, d1) -> (0, 0)>
module attributes {stable_mosaic.version = 14 : i64} {
  func.func @_body(%arg0: i32, %arg1: i32, %arg2: memref<114688xi32, #tpu.memory_space<hbm>>, %arg3: memref<8x1000x128xf32, #tpu.memory_space<hbm>>, %arg4: memref<16384x128xf32, #tpu.memory_space<hbm>>, %arg5: memref<3584xi32, #tpu.memory_space<vmem>>, %arg6: memref<512x128xf32, #tpu.memory_space<vmem>>, %arg7: memref<!tpu.dma_semaphore, #tpu.memory_space<semaphore_mem>>, %arg8: memref<!tpu.dma_semaphore, #tpu.memory_space<semaphore_mem>>) attributes {dimension_semantics = [#tpu.dimension_semantics<core_parallel>, #tpu.dimension_semantics<subcore_parallel>], iteration_bounds = array<i64: 2, 16>, scalar_prefetch = 0 : i64, scratch_operands = 4 : i64, tpu.core_type = #tpu.core_type<sc_vector_subcore>, window_params = [{transform_indices = #map}, {transform_indices = #map1}, {transform_indices = #map2}]} {
    %mul3A = arith.constant 2 : i32
    %mul3A_0 = arith.muli %arg1, %mul3A : i32
    %add3A = arith.addi %mul3A_0, %arg0 : i32
    %mul3A_1 = arith.constant 512 : i32
    %mul3A_2 = arith.muli %add3A, %mul3A_1 : i32
    %mul3A_3 = arith.constant 3584 : i32
    %mul3A_4 = arith.muli %add3A, %mul3A_3 : i32
    "tpu.region"() ({
      %run_scoped3A = tpu.sem_alloc : memref<!tpu.dma_semaphore, #tpu.memory_space<semaphore_mem>>
      %dma_start3A_731 = tpu.memref_slice %arg2[%mul3A_4] : memref<114688xi32, #tpu.memory_space<hbm>> -> memref<3584xi32, #tpu.memory_space<hbm>>
      %dma_start3A_732 = tpu.memref_slice %arg2[%mul3A_4] : memref<114688xi32, #tpu.memory_space<hbm>> -> memref<3584xi32, #tpu.memory_space<hbm>>
      tpu.enqueue_dma source(%dma_start3A_732 : memref<3584xi32, #tpu.memory_space<hbm>>) target(%arg5 : memref<3584xi32, #tpu.memory_space<vmem>>) target_semaphore(%run_scoped3A : memref<!tpu.dma_semaphore, #tpu.memory_space<semaphore_mem>>)
      %dma_wait3A_733 = tpu.memref_slice %arg2[%mul3A_4] : memref<114688xi32, #tpu.memory_space<hbm>> -> memref<3584xi32, #tpu.memory_space<hbm>>
      %dma_wait3A_734 = tpu.memref_slice %arg2[%mul3A_4] : memref<114688xi32, #tpu.memory_space<hbm>> -> memref<3584xi32, #tpu.memory_space<hbm>>
      tpu.wait_dma2 semaphore(%run_scoped3A : memref<!tpu.dma_semaphore, #tpu.memory_space<semaphore_mem>>) src(%dma_wait3A_734 : memref<3584xi32, #tpu.memory_space<hbm>>) dst(%arg5 : memref<3584xi32, #tpu.memory_space<vmem>>)
      tpu.yield
    }) : () -> ()
    %dma_start3A = arith.constant 0 : i32
    %dma_start3A_5 = arith.constant 0 : i32
    %dma_start3A_6 = arith.constant 0 : i32
    %dma_start3A_7 = tpu.memref_slice %arg6[%dma_start3A_5, %dma_start3A_6] : memref<512x128xf32, #tpu.memory_space<vmem>> -> memref<128x128xf32, #tpu.memory_space<vmem>>
    %dma_start3A_8 = arith.constant 0 : i32
    %dma_start3A_9 = tpu.memref_slice %arg5[%dma_start3A_8] : memref<3584xi32, #tpu.memory_space<vmem>> -> memref<128xi32, #tpu.memory_space<vmem>>
    %dma_start3A_10 = arith.constant 0 : i32
    %dma_start3A_11 = arith.constant 0 : i32
    %dma_start3A_12 = tpu.memref_slice %arg3[%dma_start3A, %dma_start3A_10, %dma_start3A_11] : memref<8x1000x128xf32, #tpu.memory_space<hbm>> -> memref<1x1000x128xf32, #tpu.memory_space<hbm>>
    %dma_start3A_13 = tpu.memref_squeeze %dma_start3A_12 : memref<1x1000x128xf32, #tpu.memory_space<hbm>> -> memref<1000x128xf32, #tpu.memory_space<hbm>>
    %dma_start3A_14 = arith.constant 0 : i32
    %dma_start3A_15 = arith.constant 0 : i32
    %dma_start3A_16 = tpu.memref_slice %dma_start3A_13[%dma_start3A_14, %dma_start3A_15] : memref<1000x128xf32, #tpu.memory_space<hbm>> -> memref<1000x128xf32, #tpu.memory_space<hbm>>
    tpu.enqueue_indirect_dma source(%dma_start3A_16 : memref<1000x128xf32, #tpu.memory_space<hbm>>) target(%dma_start3A_7 : memref<128x128xf32, #tpu.memory_space<vmem>>) offsets(%dma_start3A_9 : memref<128xi32, #tpu.memory_space<vmem>>) semaphore(%arg7 : memref<!tpu.dma_semaphore, #tpu.memory_space<semaphore_mem>>)
    %dma_start3A_17 = arith.constant 0 : i32
    %dma_start3A_18 = arith.constant 128 : i32
    %dma_start3A_19 = arith.constant 0 : i32
    %dma_start3A_20 = tpu.memref_slice %arg6[%dma_start3A_18, %dma_start3A_19] : memref<512x128xf32, #tpu.memory_space<vmem>> -> memref<128x128xf32, #tpu.memory_space<vmem>>
    %dma_start3A_21 = arith.constant 128 : i32
    %dma_start3A_22 = tpu.memref_slice %arg5[%dma_start3A_21] : memref<3584xi32, #tpu.memory_space<vmem>> -> memref<128xi32, #tpu.memory_space<vmem>>
    %dma_start3A_23 = arith.constant 0 : i32
    %dma_start3A_24 = arith.constant 0 : i32
    %dma_start3A_25 = tpu.memref_slice %arg3[%dma_start3A_17, %dma_start3A_23, %dma_start3A_24] : memref<8x1000x128xf32, #tpu.memory_space<hbm>> -> memref<1x1000x128xf32, #tpu.memory_space<hbm>>
    %dma_start3A_26 = tpu.memref_squeeze %dma_start3A_25 : memref<1x1000x128xf32, #tpu.memory_space<hbm>> -> memref<1000x128xf32, #tpu.memory_space<hbm>>
    %dma_start3A_27 = arith.constant 0 : i32
    %dma_start3A_28 = arith.constant 0 : i32
    %dma_start3A_29 = tpu.memref_slice %dma_start3A_26[%dma_start3A_27, %dma_start3A_28] : memref<1000x128xf32, #tpu.memory_space<hbm>> -> memref<1000x128xf32, #tpu.memory_space<hbm>>
    tpu.enqueue_indirect_dma source(%dma_start3A_29 : memref<1000x128xf32, #tpu.memory_space<hbm>>) target(%dma_start3A_20 : memref<128x128xf32, #tpu.memory_space<vmem>>) offsets(%dma_start3A_22 : memref<128xi32, #tpu.memory_space<vmem>>) semaphore(%arg7 : memref<!tpu.dma_semaphore, #tpu.memory_space<semaphore_mem>>)
    %dma_start3A_30 = arith.constant 0 : i32
    %dma_start3A_31 = arith.constant 256 : i32
    %dma_start3A_32 = arith.constant 0 : i32
    %dma_start3A_33 = tpu.memref_slice %arg6[%dma_start3A_31, %dma_start3A_32] : memref<512x128xf32, #tpu.memory_space<vmem>> -> memref<128x128xf32, #tpu.memory_space<vmem>>
    %dma_start3A_34 = arith.constant 256 : i32
    %dma_start3A_35 = tpu.memref_slice %arg5[%dma_start3A_34] : memref<3584xi32, #tpu.memory_space<vmem>> -> memref<128xi32, #tpu.memory_space<vmem>>
    %dma_start3A_36 = arith.constant 0 : i32
    %dma_start3A_37 = arith.constant 0 : i32
    %dma_start3A_38 = tpu.memref_slice %arg3[%dma_start3A_30, %dma_start3A_36, %dma_start3A_37] : memref<8x1000x128xf32, #tpu.memory_space<hbm>> -> memref<1x1000x128xf32, #tpu.memory_space<hbm>>
    %dma_start3A_39 = tpu.memref_squeeze %dma_start3A_38 : memref<1x1000x128xf32, #tpu.memory_space<hbm>> -> memref<1000x128xf32, #tpu.memory_space<hbm>>
    %dma_start3A_40 = arith.constant 0 : i32
    %dma_start3A_41 = arith.constant 0 : i32
    %dma_start3A_42 = tpu.memref_slice %dma_start3A_39[%dma_start3A_40, %dma_start3A_41] : memref<1000x128xf32, #tpu.memory_space<hbm>> -> memref<1000x128xf32, #tpu.memory_space<hbm>>
    tpu.enqueue_indirect_dma source(%dma_start3A_42 : memref<1000x128xf32, #tpu.memory_space<hbm>>) target(%dma_start3A_33 : memref<128x128xf32, #tpu.memory_space<vmem>>) offsets(%dma_start3A_35 : memref<128xi32, #tpu.memory_space<vmem>>) semaphore(%arg7 : memref<!tpu.dma_semaphore, #tpu.memory_space<semaphore_mem>>)
    %dma_start3A_43 = arith.constant 0 : i32
    %dma_start3A_44 = arith.constant 384 : i32
    %dma_start3A_45 = arith.constant 0 : i32
    %dma_start3A_46 = tpu.memref_slice %arg6[%dma_start3A_44, %dma_start3A_45] : memref<512x128xf32, #tpu.memory_space<vmem>> -> memref<128x128xf32, #tpu.memory_space<vmem>>
    %dma_start3A_47 = arith.constant 384 : i32
    %dma_start3A_48 = tpu.memref_slice %arg5[%dma_start3A_47] : memref<3584xi32, #tpu.memory_space<vmem>> -> memref<128xi32, #tpu.memory_space<vmem>>
    %dma_start3A_49 = arith.constant 0 : i32
    %dma_start3A_50 = arith.constant 0 : i32
    %dma_start3A_51 = tpu.memref_slice %arg3[%dma_start3A_43, %dma_start3A_49, %dma_start3A_50] : memref<8x1000x128xf32, #tpu.memory_space<hbm>> -> memref<1x1000x128xf32, #tpu.memory_space<hbm>>
    %dma_start3A_52 = tpu.memref_squeeze %dma_start3A_51 : memref<1x1000x128xf32, #tpu.memory_space<hbm>> -> memref<1000x128xf32, #tpu.memory_space<hbm>>
    %dma_start3A_53 = arith.constant 0 : i32
    %dma_start3A_54 = arith.constant 0 : i32
    %dma_start3A_55 = tpu.memref_slice %dma_start3A_52[%dma_start3A_53, %dma_start3A_54] : memref<1000x128xf32, #tpu.memory_space<hbm>> -> memref<1000x128xf32, #tpu.memory_space<hbm>>
    tpu.enqueue_indirect_dma source(%dma_start3A_55 : memref<1000x128xf32, #tpu.memory_space<hbm>>) target(%dma_start3A_46 : memref<128x128xf32, #tpu.memory_space<vmem>>) offsets(%dma_start3A_48 : memref<128xi32, #tpu.memory_space<vmem>>) semaphore(%arg7 : memref<!tpu.dma_semaphore, #tpu.memory_space<semaphore_mem>>)
    %dma_wait3A = arith.constant 0 : i32
    %dma_wait3A_56 = arith.constant 0 : i32
    %dma_wait3A_57 = arith.constant 0 : i32
    %dma_wait3A_58 = tpu.memref_slice %arg6[%dma_wait3A_56, %dma_wait3A_57] : memref<512x128xf32, #tpu.memory_space<vmem>> -> memref<128x128xf32, #tpu.memory_space<vmem>>
    %dma_wait3A_59 = arith.constant 0 : i32
    %dma_wait3A_60 = tpu.memref_slice %arg5[%dma_wait3A_59] : memref<3584xi32, #tpu.memory_space<vmem>> -> memref<128xi32, #tpu.memory_space<vmem>>
    %dma_wait3A_61 = arith.constant 0 : i32
    %dma_wait3A_62 = arith.constant 0 : i32
    %dma_wait3A_63 = tpu.memref_slice %arg3[%dma_wait3A, %dma_wait3A_61, %dma_wait3A_62] : memref<8x1000x128xf32, #tpu.memory_space<hbm>> -> memref<1x1000x128xf32, #tpu.memory_space<hbm>>
    %dma_wait3A_64 = tpu.memref_squeeze %dma_wait3A_63 : memref<1x1000x128xf32, #tpu.memory_space<hbm>> -> memref<1000x128xf32, #tpu.memory_space<hbm>>
    %dma_wait3A_65 = arith.constant 0 : i32
    %dma_wait3A_66 = arith.constant 0 : i32
    %dma_wait3A_67 = tpu.memref_slice %dma_wait3A_64[%dma_wait3A_65, %dma_wait3A_66] : memref<1000x128xf32, #tpu.memory_space<hbm>> -> memref<1000x128xf32, #tpu.memory_space<hbm>>
    tpu.wait_indirect_dma semaphore(%arg7 : memref<!tpu.dma_semaphore, #tpu.memory_space<semaphore_mem>>) src(%dma_wait3A_67 : memref<1000x128xf32, #tpu.memory_space<hbm>>) dst(%dma_wait3A_58 : memref<128x128xf32, #tpu.memory_space<vmem>>)
    %dma_start3A_68 = arith.constant 1 : i32
    %dma_start3A_69 = arith.constant 0 : i32
    %dma_start3A_70 = arith.constant 0 : i32
    %dma_start3A_71 = tpu.memref_slice %arg6[%dma_start3A_69, %dma_start3A_70] : memref<512x128xf32, #tpu.memory_space<vmem>> -> memref<128x128xf32, #tpu.memory_space<vmem>>
    %dma_start3A_72 = arith.constant 512 : i32
    %dma_start3A_73 = tpu.memref_slice %arg5[%dma_start3A_72] : memref<3584xi32, #tpu.memory_space<vmem>> -> memref<128xi32, #tpu.memory_space<vmem>>
    %dma_start3A_74 = arith.constant 0 : i32
    %dma_start3A_75 = arith.constant 0 : i32
    %dma_start3A_76 = tpu.memref_slice %arg3[%dma_start3A_68, %dma_start3A_74, %dma_start3A_75] : memref<8x1000x128xf32, #tpu.memory_space<hbm>> -> memref<1x1000x128xf32, #tpu.memory_space<hbm>>
    %dma_start3A_77 = tpu.memref_squeeze %dma_start3A_76 : memref<1x1000x128xf32, #tpu.memory_space<hbm>> -> memref<1000x128xf32, #tpu.memory_space<hbm>>
    %dma_start3A_78 = arith.constant 0 : i32
    %dma_start3A_79 = arith.constant 0 : i32
    %dma_start3A_80 = tpu.memref_slice %dma_start3A_77[%dma_start3A_78, %dma_start3A_79] : memref<1000x128xf32, #tpu.memory_space<hbm>> -> memref<1000x128xf32, #tpu.memory_space<hbm>>
    tpu.enqueue_indirect_dma source(%dma_start3A_80 : memref<1000x128xf32, #tpu.memory_space<hbm>>) target(%dma_start3A_71 : memref<128x128xf32, #tpu.memory_space<vmem>>) offsets(%dma_start3A_73 : memref<128xi32, #tpu.memory_space<vmem>>) semaphore(%arg8 : memref<!tpu.dma_semaphore, #tpu.memory_space<semaphore_mem>>) {add = true}
    %dma_start3A_81 = arith.constant 2 : i32
    %dma_start3A_82 = arith.constant 0 : i32
    %dma_start3A_83 = arith.constant 0 : i32
    %dma_start3A_84 = tpu.memref_slice %arg6[%dma_start3A_82, %dma_start3A_83] : memref<512x128xf32, #tpu.memory_space<vmem>> -> memref<128x128xf32, #tpu.memory_space<vmem>>
    %dma_start3A_85 = arith.constant 1024 : i32
    %dma_start3A_86 = tpu.memref_slice %arg5[%dma_start3A_85] : memref<3584xi32, #tpu.memory_space<vmem>> -> memref<128xi32, #tpu.memory_space<vmem>>
    %dma_start3A_87 = arith.constant 0 : i32
    %dma_start3A_88 = arith.constant 0 : i32
    %dma_start3A_89 = tpu.memref_slice %arg3[%dma_start3A_81, %dma_start3A_87, %dma_start3A_88] : memref<8x1000x128xf32, #tpu.memory_space<hbm>> -> memref<1x1000x128xf32, #tpu.memory_space<hbm>>
    %dma_start3A_90 = tpu.memref_squeeze %dma_start3A_89 : memref<1x1000x128xf32, #tpu.memory_space<hbm>> -> memref<1000x128xf32, #tpu.memory_space<hbm>>
    %dma_start3A_91 = arith.constant 0 : i32
    %dma_start3A_92 = arith.constant 0 : i32
    %dma_start3A_93 = tpu.memref_slice %dma_start3A_90[%dma_start3A_91, %dma_start3A_92] : memref<1000x128xf32, #tpu.memory_space<hbm>> -> memref<1000x128xf32, #tpu.memory_space<hbm>>
    tpu.enqueue_indirect_dma source(%dma_start3A_93 : memref<1000x128xf32, #tpu.memory_space<hbm>>) target(%dma_start3A_84 : memref<128x128xf32, #tpu.memory_space<vmem>>) offsets(%dma_start3A_86 : memref<128xi32, #tpu.memory_space<vmem>>) semaphore(%arg8 : memref<!tpu.dma_semaphore, #tpu.memory_space<semaphore_mem>>) {add = true}
    %dma_start3A_94 = arith.constant 3 : i32
    %dma_start3A_95 = arith.constant 0 : i32
    %dma_start3A_96 = arith.constant 0 : i32
    %dma_start3A_97 = tpu.memref_slice %arg6[%dma_start3A_95, %dma_start3A_96] : memref<512x128xf32, #tpu.memory_space<vmem>> -> memref<128x128xf32, #tpu.memory_space<vmem>>
    %dma_start3A_98 = arith.constant 1536 : i32
    %dma_start3A_99 = tpu.memref_slice %arg5[%dma_start3A_98] : memref<3584xi32, #tpu.memory_space<vmem>> -> memref<128xi32, #tpu.memory_space<vmem>>
    %dma_start3A_100 = arith.constant 0 : i32
    %dma_start3A_101 = arith.constant 0 : i32
    %dma_start3A_102 = tpu.memref_slice %arg3[%dma_start3A_94, %dma_start3A_100, %dma_start3A_101] : memref<8x1000x128xf32, #tpu.memory_space<hbm>> -> memref<1x1000x128xf32, #tpu.memory_space<hbm>>
    %dma_start3A_103 = tpu.memref_squeeze %dma_start3A_102 : memref<1x1000x128xf32, #tpu.memory_space<hbm>> -> memref<1000x128xf32, #tpu.memory_space<hbm>>
    %dma_start3A_104 = arith.constant 0 : i32
    %dma_start3A_105 = arith.constant 0 : i32
    %dma_start3A_106 = tpu.memref_slice %dma_start3A_103[%dma_start3A_104, %dma_start3A_105] : memref<1000x128xf32, #tpu.memory_space<hbm>> -> memref<1000x128xf32, #tpu.memory_space<hbm>>
    tpu.enqueue_indirect_dma source(%dma_start3A_106 : memref<1000x128xf32, #tpu.memory_space<hbm>>) target(%dma_start3A_97 : memref<128x128xf32, #tpu.memory_space<vmem>>) offsets(%dma_start3A_99 : memref<128xi32, #tpu.memory_space<vmem>>) semaphore(%arg8 : memref<!tpu.dma_semaphore, #tpu.memory_space<semaphore_mem>>) {add = true}
    %dma_start3A_107 = arith.constant 4 : i32
    %dma_start3A_108 = arith.constant 0 : i32
    %dma_start3A_109 = arith.constant 0 : i32
    %dma_start3A_110 = tpu.memref_slice %arg6[%dma_start3A_108, %dma_start3A_109] : memref<512x128xf32, #tpu.memory_space<vmem>> -> memref<128x128xf32, #tpu.memory_space<vmem>>
    %dma_start3A_111 = arith.constant 2048 : i32
    %dma_start3A_112 = tpu.memref_slice %arg5[%dma_start3A_111] : memref<3584xi32, #tpu.memory_space<vmem>> -> memref<128xi32, #tpu.memory_space<vmem>>
    %dma_start3A_113 = arith.constant 0 : i32
    %dma_start3A_114 = arith.constant 0 : i32
    %dma_start3A_115 = tpu.memref_slice %arg3[%dma_start3A_107, %dma_start3A_113, %dma_start3A_114] : memref<8x1000x128xf32, #tpu.memory_space<hbm>> -> memref<1x1000x128xf32, #tpu.memory_space<hbm>>
    %dma_start3A_116 = tpu.memref_squeeze %dma_start3A_115 : memref<1x1000x128xf32, #tpu.memory_space<hbm>> -> memref<1000x128xf32, #tpu.memory_space<hbm>>
    %dma_start3A_117 = arith.constant 0 : i32
    %dma_start3A_118 = arith.constant 0 : i32
    %dma_start3A_119 = tpu.memref_slice %dma_start3A_116[%dma_start3A_117, %dma_start3A_118] : memref<1000x128xf32, #tpu.memory_space<hbm>> -> memref<1000x128xf32, #tpu.memory_space<hbm>>
    tpu.enqueue_indirect_dma source(%dma_start3A_119 : memref<1000x128xf32, #tpu.memory_space<hbm>>) target(%dma_start3A_110 : memref<128x128xf32, #tpu.memory_space<vmem>>) offsets(%dma_start3A_112 : memref<128xi32, #tpu.memory_space<vmem>>) semaphore(%arg8 : memref<!tpu.dma_semaphore, #tpu.memory_space<semaphore_mem>>) {add = true}
    %dma_start3A_120 = arith.constant 5 : i32
    %dma_start3A_121 = arith.constant 0 : i32
    %dma_start3A_122 = arith.constant 0 : i32
    %dma_start3A_123 = tpu.memref_slice %arg6[%dma_start3A_121, %dma_start3A_122] : memref<512x128xf32, #tpu.memory_space<vmem>> -> memref<128x128xf32, #tpu.memory_space<vmem>>
    %dma_start3A_124 = arith.constant 2560 : i32
    %dma_start3A_125 = tpu.memref_slice %arg5[%dma_start3A_124] : memref<3584xi32, #tpu.memory_space<vmem>> -> memref<128xi32, #tpu.memory_space<vmem>>
    %dma_start3A_126 = arith.constant 0 : i32
    %dma_start3A_127 = arith.constant 0 : i32
    %dma_start3A_128 = tpu.memref_slice %arg3[%dma_start3A_120, %dma_start3A_126, %dma_start3A_127] : memref<8x1000x128xf32, #tpu.memory_space<hbm>> -> memref<1x1000x128xf32, #tpu.memory_space<hbm>>
    %dma_start3A_129 = tpu.memref_squeeze %dma_start3A_128 : memref<1x1000x128xf32, #tpu.memory_space<hbm>> -> memref<1000x128xf32, #tpu.memory_space<hbm>>
    %dma_start3A_130 = arith.constant 0 : i32
    %dma_start3A_131 = arith.constant 0 : i32
    %dma_start3A_132 = tpu.memref_slice %dma_start3A_129[%dma_start3A_130, %dma_start3A_131] : memref<1000x128xf32, #tpu.memory_space<hbm>> -> memref<1000x128xf32, #tpu.memory_space<hbm>>
    tpu.enqueue_indirect_dma source(%dma_start3A_132 : memref<1000x128xf32, #tpu.memory_space<hbm>>) target(%dma_start3A_123 : memref<128x128xf32, #tpu.memory_space<vmem>>) offsets(%dma_start3A_125 : memref<128xi32, #tpu.memory_space<vmem>>) semaphore(%arg8 : memref<!tpu.dma_semaphore, #tpu.memory_space<semaphore_mem>>) {add = true}
    %dma_start3A_133 = arith.constant 6 : i32
    %dma_start3A_134 = arith.constant 0 : i32
    %dma_start3A_135 = arith.constant 0 : i32
    %dma_start3A_136 = tpu.memref_slice %arg6[%dma_start3A_134, %dma_start3A_135] : memref<512x128xf32, #tpu.memory_space<vmem>> -> memref<128x128xf32, #tpu.memory_space<vmem>>
    %dma_start3A_137 = arith.constant 3072 : i32
    %dma_start3A_138 = tpu.memref_slice %arg5[%dma_start3A_137] : memref<3584xi32, #tpu.memory_space<vmem>> -> memref<128xi32, #tpu.memory_space<vmem>>
    %dma_start3A_139 = arith.constant 0 : i32
    %dma_start3A_140 = arith.constant 0 : i32
    %dma_start3A_141 = tpu.memref_slice %arg3[%dma_start3A_133, %dma_start3A_139, %dma_start3A_140] : memref<8x1000x128xf32, #tpu.memory_space<hbm>> -> memref<1x1000x128xf32, #tpu.memory_space<hbm>>
    %dma_start3A_142 = tpu.memref_squeeze %dma_start3A_141 : memref<1x1000x128xf32, #tpu.memory_space<hbm>> -> memref<1000x128xf32, #tpu.memory_space<hbm>>
    %dma_start3A_143 = arith.constant 0 : i32
    %dma_start3A_144 = arith.constant 0 : i32
    %dma_start3A_145 = tpu.memref_slice %dma_start3A_142[%dma_start3A_143, %dma_start3A_144] : memref<1000x128xf32, #tpu.memory_space<hbm>> -> memref<1000x128xf32, #tpu.memory_space<hbm>>
    tpu.enqueue_indirect_dma source(%dma_start3A_145 : memref<1000x128xf32, #tpu.memory_space<hbm>>) target(%dma_start3A_136 : memref<128x128xf32, #tpu.memory_space<vmem>>) offsets(%dma_start3A_138 : memref<128xi32, #tpu.memory_space<vmem>>) semaphore(%arg8 : memref<!tpu.dma_semaphore, #tpu.memory_space<semaphore_mem>>) {add = true}
    %dma_wait3A_146 = arith.constant 0 : i32
    %dma_wait3A_147 = arith.constant 128 : i32
    %dma_wait3A_148 = arith.constant 0 : i32
    %dma_wait3A_149 = tpu.memref_slice %arg6[%dma_wait3A_147, %dma_wait3A_148] : memref<512x128xf32, #tpu.memory_space<vmem>> -> memref<128x128xf32, #tpu.memory_space<vmem>>
    %dma_wait3A_150 = arith.constant 128 : i32
    %dma_wait3A_151 = tpu.memref_slice %arg5[%dma_wait3A_150] : memref<3584xi32, #tpu.memory_space<vmem>> -> memref<128xi32, #tpu.memory_space<vmem>>
    %dma_wait3A_152 = arith.constant 0 : i32
    %dma_wait3A_153 = arith.constant 0 : i32
    %dma_wait3A_154 = tpu.memref_slice %arg3[%dma_wait3A_146, %dma_wait3A_152, %dma_wait3A_153] : memref<8x1000x128xf32, #tpu.memory_space<hbm>> -> memref<1x1000x128xf32, #tpu.memory_space<hbm>>
    %dma_wait3A_155 = tpu.memref_squeeze %dma_wait3A_154 : memref<1x1000x128xf32, #tpu.memory_space<hbm>> -> memref<1000x128xf32, #tpu.memory_space<hbm>>
    %dma_wait3A_156 = arith.constant 0 : i32
    %dma_wait3A_157 = arith.constant 0 : i32
    %dma_wait3A_158 = tpu.memref_slice %dma_wait3A_155[%dma_wait3A_156, %dma_wait3A_157] : memref<1000x128xf32, #tpu.memory_space<hbm>> -> memref<1000x128xf32, #tpu.memory_space<hbm>>
    tpu.wait_indirect_dma semaphore(%arg7 : memref<!tpu.dma_semaphore, #tpu.memory_space<semaphore_mem>>) src(%dma_wait3A_158 : memref<1000x128xf32, #tpu.memory_space<hbm>>) dst(%dma_wait3A_149 : memref<128x128xf32, #tpu.memory_space<vmem>>)
    %dma_start3A_159 = arith.constant 1 : i32
    %dma_start3A_160 = arith.constant 128 : i32
    %dma_start3A_161 = arith.constant 0 : i32
    %dma_start3A_162 = tpu.memref_slice %arg6[%dma_start3A_160, %dma_start3A_161] : memref<512x128xf32, #tpu.memory_space<vmem>> -> memref<128x128xf32, #tpu.memory_space<vmem>>
    %dma_start3A_163 = arith.constant 640 : i32
    %dma_start3A_164 = tpu.memref_slice %arg5[%dma_start3A_163] : memref<3584xi32, #tpu.memory_space<vmem>> -> memref<128xi32, #tpu.memory_space<vmem>>
    %dma_start3A_165 = arith.constant 0 : i32
    %dma_start3A_166 = arith.constant 0 : i32
    %dma_start3A_167 = tpu.memref_slice %arg3[%dma_start3A_159, %dma_start3A_165, %dma_start3A_166] : memref<8x1000x128xf32, #tpu.memory_space<hbm>> -> memref<1x1000x128xf32, #tpu.memory_space<hbm>>
    %dma_start3A_168 = tpu.memref_squeeze %dma_start3A_167 : memref<1x1000x128xf32, #tpu.memory_space<hbm>> -> memref<1000x128xf32, #tpu.memory_space<hbm>>
    %dma_start3A_169 = arith.constant 0 : i32
    %dma_start3A_170 = arith.constant 0 : i32
    %dma_start3A_171 = tpu.memref_slice %dma_start3A_168[%dma_start3A_169, %dma_start3A_170] : memref<1000x128xf32, #tpu.memory_space<hbm>> -> memref<1000x128xf32, #tpu.memory_space<hbm>>
    tpu.enqueue_indirect_dma source(%dma_start3A_171 : memref<1000x128xf32, #tpu.memory_space<hbm>>) target(%dma_start3A_162 : memref<128x128xf32, #tpu.memory_space<vmem>>) offsets(%dma_start3A_164 : memref<128xi32, #tpu.memory_space<vmem>>) semaphore(%arg8 : memref<!tpu.dma_semaphore, #tpu.memory_space<semaphore_mem>>) {add = true}
    %dma_start3A_172 = arith.constant 2 : i32
    %dma_start3A_173 = arith.constant 128 : i32
    %dma_start3A_174 = arith.constant 0 : i32
    %dma_start3A_175 = tpu.memref_slice %arg6[%dma_start3A_173, %dma_start3A_174] : memref<512x128xf32, #tpu.memory_space<vmem>> -> memref<128x128xf32, #tpu.memory_space<vmem>>
    %dma_start3A_176 = arith.constant 1152 : i32
    %dma_start3A_177 = tpu.memref_slice %arg5[%dma_start3A_176] : memref<3584xi32, #tpu.memory_space<vmem>> -> memref<128xi32, #tpu.memory_space<vmem>>
    %dma_start3A_178 = arith.constant 0 : i32
    %dma_start3A_179 = arith.constant 0 : i32
    %dma_start3A_180 = tpu.memref_slice %arg3[%dma_start3A_172, %dma_start3A_178, %dma_start3A_179] : memref<8x1000x128xf32, #tpu.memory_space<hbm>> -> memref<1x1000x128xf32, #tpu.memory_space<hbm>>
    %dma_start3A_181 = tpu.memref_squeeze %dma_start3A_180 : memref<1x1000x128xf32, #tpu.memory_space<hbm>> -> memref<1000x128xf32, #tpu.memory_space<hbm>>
    %dma_start3A_182 = arith.constant 0 : i32
    %dma_start3A_183 = arith.constant 0 : i32
    %dma_start3A_184 = tpu.memref_slice %dma_start3A_181[%dma_start3A_182, %dma_start3A_183] : memref<1000x128xf32, #tpu.memory_space<hbm>> -> memref<1000x128xf32, #tpu.memory_space<hbm>>
    tpu.enqueue_indirect_dma source(%dma_start3A_184 : memref<1000x128xf32, #tpu.memory_space<hbm>>) target(%dma_start3A_175 : memref<128x128xf32, #tpu.memory_space<vmem>>) offsets(%dma_start3A_177 : memref<128xi32, #tpu.memory_space<vmem>>) semaphore(%arg8 : memref<!tpu.dma_semaphore, #tpu.memory_space<semaphore_mem>>) {add = true}
    %dma_start3A_185 = arith.constant 3 : i32
    %dma_start3A_186 = arith.constant 128 : i32
    %dma_start3A_187 = arith.constant 0 : i32
    %dma_start3A_188 = tpu.memref_slice %arg6[%dma_start3A_186, %dma_start3A_187] : memref<512x128xf32, #tpu.memory_space<vmem>> -> memref<128x128xf32, #tpu.memory_space<vmem>>
    %dma_start3A_189 = arith.constant 1664 : i32
    %dma_start3A_190 = tpu.memref_slice %arg5[%dma_start3A_189] : memref<3584xi32, #tpu.memory_space<vmem>> -> memref<128xi32, #tpu.memory_space<vmem>>
    %dma_start3A_191 = arith.constant 0 : i32
    %dma_start3A_192 = arith.constant 0 : i32
    %dma_start3A_193 = tpu.memref_slice %arg3[%dma_start3A_185, %dma_start3A_191, %dma_start3A_192] : memref<8x1000x128xf32, #tpu.memory_space<hbm>> -> memref<1x1000x128xf32, #tpu.memory_space<hbm>>
    %dma_start3A_194 = tpu.memref_squeeze %dma_start3A_193 : memref<1x1000x128xf32, #tpu.memory_space<hbm>> -> memref<1000x128xf32, #tpu.memory_space<hbm>>
    %dma_start3A_195 = arith.constant 0 : i32
    %dma_start3A_196 = arith.constant 0 : i32
    %dma_start3A_197 = tpu.memref_slice %dma_start3A_194[%dma_start3A_195, %dma_start3A_196] : memref<1000x128xf32, #tpu.memory_space<hbm>> -> memref<1000x128xf32, #tpu.memory_space<hbm>>
    tpu.enqueue_indirect_dma source(%dma_start3A_197 : memref<1000x128xf32, #tpu.memory_space<hbm>>) target(%dma_start3A_188 : memref<128x128xf32, #tpu.memory_space<vmem>>) offsets(%dma_start3A_190 : memref<128xi32, #tpu.memory_space<vmem>>) semaphore(%arg8 : memref<!tpu.dma_semaphore, #tpu.memory_space<semaphore_mem>>) {add = true}
    %dma_start3A_198 = arith.constant 4 : i32
    %dma_start3A_199 = arith.constant 128 : i32
    %dma_start3A_200 = arith.constant 0 : i32
    %dma_start3A_201 = tpu.memref_slice %arg6[%dma_start3A_199, %dma_start3A_200] : memref<512x128xf32, #tpu.memory_space<vmem>> -> memref<128x128xf32, #tpu.memory_space<vmem>>
    %dma_start3A_202 = arith.constant 2176 : i32
    %dma_start3A_203 = tpu.memref_slice %arg5[%dma_start3A_202] : memref<3584xi32, #tpu.memory_space<vmem>> -> memref<128xi32, #tpu.memory_space<vmem>>
    %dma_start3A_204 = arith.constant 0 : i32
    %dma_start3A_205 = arith.constant 0 : i32
    %dma_start3A_206 = tpu.memref_slice %arg3[%dma_start3A_198, %dma_start3A_204, %dma_start3A_205] : memref<8x1000x128xf32, #tpu.memory_space<hbm>> -> memref<1x1000x128xf32, #tpu.memory_space<hbm>>
    %dma_start3A_207 = tpu.memref_squeeze %dma_start3A_206 : memref<1x1000x128xf32, #tpu.memory_space<hbm>> -> memref<1000x128xf32, #tpu.memory_space<hbm>>
    %dma_start3A_208 = arith.constant 0 : i32
    %dma_start3A_209 = arith.constant 0 : i32
    %dma_start3A_210 = tpu.memref_slice %dma_start3A_207[%dma_start3A_208, %dma_start3A_209] : memref<1000x128xf32, #tpu.memory_space<hbm>> -> memref<1000x128xf32, #tpu.memory_space<hbm>>
    tpu.enqueue_indirect_dma source(%dma_start3A_210 : memref<1000x128xf32, #tpu.memory_space<hbm>>) target(%dma_start3A_201 : memref<128x128xf32, #tpu.memory_space<vmem>>) offsets(%dma_start3A_203 : memref<128xi32, #tpu.memory_space<vmem>>) semaphore(%arg8 : memref<!tpu.dma_semaphore, #tpu.memory_space<semaphore_mem>>) {add = true}
    %dma_start3A_211 = arith.constant 5 : i32
    %dma_start3A_212 = arith.constant 128 : i32
    %dma_start3A_213 = arith.constant 0 : i32
    %dma_start3A_214 = tpu.memref_slice %arg6[%dma_start3A_212, %dma_start3A_213] : memref<512x128xf32, #tpu.memory_space<vmem>> -> memref<128x128xf32, #tpu.memory_space<vmem>>
    %dma_start3A_215 = arith.constant 2688 : i32
    %dma_start3A_216 = tpu.memref_slice %arg5[%dma_start3A_215] : memref<3584xi32, #tpu.memory_space<vmem>> -> memref<128xi32, #tpu.memory_space<vmem>>
    %dma_start3A_217 = arith.constant 0 : i32
    %dma_start3A_218 = arith.constant 0 : i32
    %dma_start3A_219 = tpu.memref_slice %arg3[%dma_start3A_211, %dma_start3A_217, %dma_start3A_218] : memref<8x1000x128xf32, #tpu.memory_space<hbm>> -> memref<1x1000x128xf32, #tpu.memory_space<hbm>>
    %dma_start3A_220 = tpu.memref_squeeze %dma_start3A_219 : memref<1x1000x128xf32, #tpu.memory_space<hbm>> -> memref<1000x128xf32, #tpu.memory_space<hbm>>
    %dma_start3A_221 = arith.constant 0 : i32
    %dma_start3A_222 = arith.constant 0 : i32
    %dma_start3A_223 = tpu.memref_slice %dma_start3A_220[%dma_start3A_221, %dma_start3A_222] : memref<1000x128xf32, #tpu.memory_space<hbm>> -> memref<1000x128xf32, #tpu.memory_space<hbm>>
    tpu.enqueue_indirect_dma source(%dma_start3A_223 : memref<1000x128xf32, #tpu.memory_space<hbm>>) target(%dma_start3A_214 : memref<128x128xf32, #tpu.memory_space<vmem>>) offsets(%dma_start3A_216 : memref<128xi32, #tpu.memory_space<vmem>>) semaphore(%arg8 : memref<!tpu.dma_semaphore, #tpu.memory_space<semaphore_mem>>) {add = true}
    %dma_start3A_224 = arith.constant 6 : i32
    %dma_start3A_225 = arith.constant 128 : i32
    %dma_start3A_226 = arith.constant 0 : i32
    %dma_start3A_227 = tpu.memref_slice %arg6[%dma_start3A_225, %dma_start3A_226] : memref<512x128xf32, #tpu.memory_space<vmem>> -> memref<128x128xf32, #tpu.memory_space<vmem>>
    %dma_start3A_228 = arith.constant 3200 : i32
    %dma_start3A_229 = tpu.memref_slice %arg5[%dma_start3A_228] : memref<3584xi32, #tpu.memory_space<vmem>> -> memref<128xi32, #tpu.memory_space<vmem>>
    %dma_start3A_230 = arith.constant 0 : i32
    %dma_start3A_231 = arith.constant 0 : i32
    %dma_start3A_232 = tpu.memref_slice %arg3[%dma_start3A_224, %dma_start3A_230, %dma_start3A_231] : memref<8x1000x128xf32, #tpu.memory_space<hbm>> -> memref<1x1000x128xf32, #tpu.memory_space<hbm>>
    %dma_start3A_233 = tpu.memref_squeeze %dma_start3A_232 : memref<1x1000x128xf32, #tpu.memory_space<hbm>> -> memref<1000x128xf32, #tpu.memory_space<hbm>>
    %dma_start3A_234 = arith.constant 0 : i32
    %dma_start3A_235 = arith.constant 0 : i32
    %dma_start3A_236 = tpu.memref_slice %dma_start3A_233[%dma_start3A_234, %dma_start3A_235] : memref<1000x128xf32, #tpu.memory_space<hbm>> -> memref<1000x128xf32, #tpu.memory_space<hbm>>
    tpu.enqueue_indirect_dma source(%dma_start3A_236 : memref<1000x128xf32, #tpu.memory_space<hbm>>) target(%dma_start3A_227 : memref<128x128xf32, #tpu.memory_space<vmem>>) offsets(%dma_start3A_229 : memref<128xi32, #tpu.memory_space<vmem>>) semaphore(%arg8 : memref<!tpu.dma_semaphore, #tpu.memory_space<semaphore_mem>>) {add = true}
    %dma_wait3A_237 = arith.constant 0 : i32
    %dma_wait3A_238 = arith.constant 256 : i32
    %dma_wait3A_239 = arith.constant 0 : i32
    %dma_wait3A_240 = tpu.memref_slice %arg6[%dma_wait3A_238, %dma_wait3A_239] : memref<512x128xf32, #tpu.memory_space<vmem>> -> memref<128x128xf32, #tpu.memory_space<vmem>>
    %dma_wait3A_241 = arith.constant 256 : i32
    %dma_wait3A_242 = tpu.memref_slice %arg5[%dma_wait3A_241] : memref<3584xi32, #tpu.memory_space<vmem>> -> memref<128xi32, #tpu.memory_space<vmem>>
    %dma_wait3A_243 = arith.constant 0 : i32
    %dma_wait3A_244 = arith.constant 0 : i32
    %dma_wait3A_245 = tpu.memref_slice %arg3[%dma_wait3A_237, %dma_wait3A_243, %dma_wait3A_244] : memref<8x1000x128xf32, #tpu.memory_space<hbm>> -> memref<1x1000x128xf32, #tpu.memory_space<hbm>>
    %dma_wait3A_246 = tpu.memref_squeeze %dma_wait3A_245 : memref<1x1000x128xf32, #tpu.memory_space<hbm>> -> memref<1000x128xf32, #tpu.memory_space<hbm>>
    %dma_wait3A_247 = arith.constant 0 : i32
    %dma_wait3A_248 = arith.constant 0 : i32
    %dma_wait3A_249 = tpu.memref_slice %dma_wait3A_246[%dma_wait3A_247, %dma_wait3A_248] : memref<1000x128xf32, #tpu.memory_space<hbm>> -> memref<1000x128xf32, #tpu.memory_space<hbm>>
    tpu.wait_indirect_dma semaphore(%arg7 : memref<!tpu.dma_semaphore, #tpu.memory_space<semaphore_mem>>) src(%dma_wait3A_249 : memref<1000x128xf32, #tpu.memory_space<hbm>>) dst(%dma_wait3A_240 : memref<128x128xf32, #tpu.memory_space<vmem>>)
    %dma_start3A_250 = arith.constant 1 : i32
    %dma_start3A_251 = arith.constant 256 : i32
    %dma_start3A_252 = arith.constant 0 : i32
    %dma_start3A_253 = tpu.memref_slice %arg6[%dma_start3A_251, %dma_start3A_252] : memref<512x128xf32, #tpu.memory_space<vmem>> -> memref<128x128xf32, #tpu.memory_space<vmem>>
    %dma_start3A_254 = arith.constant 768 : i32
    %dma_start3A_255 = tpu.memref_slice %arg5[%dma_start3A_254] : memref<3584xi32, #tpu.memory_space<vmem>> -> memref<128xi32, #tpu.memory_space<vmem>>
    %dma_start3A_256 = arith.constant 0 : i32
    %dma_start3A_257 = arith.constant 0 : i32
    %dma_start3A_258 = tpu.memref_slice %arg3[%dma_start3A_250, %dma_start3A_256, %dma_start3A_257] : memref<8x1000x128xf32, #tpu.memory_space<hbm>> -> memref<1x1000x128xf32, #tpu.memory_space<hbm>>
    %dma_start3A_259 = tpu.memref_squeeze %dma_start3A_258 : memref<1x1000x128xf32, #tpu.memory_space<hbm>> -> memref<1000x128xf32, #tpu.memory_space<hbm>>
    %dma_start3A_260 = arith.constant 0 : i32
    %dma_start3A_261 = arith.constant 0 : i32
    %dma_start3A_262 = tpu.memref_slice %dma_start3A_259[%dma_start3A_260, %dma_start3A_261] : memref<1000x128xf32, #tpu.memory_space<hbm>> -> memref<1000x128xf32, #tpu.memory_space<hbm>>
    tpu.enqueue_indirect_dma source(%dma_start3A_262 : memref<1000x128xf32, #tpu.memory_space<hbm>>) target(%dma_start3A_253 : memref<128x128xf32, #tpu.memory_space<vmem>>) offsets(%dma_start3A_255 : memref<128xi32, #tpu.memory_space<vmem>>) semaphore(%arg8 : memref<!tpu.dma_semaphore, #tpu.memory_space<semaphore_mem>>) {add = true}
    %dma_start3A_263 = arith.constant 2 : i32
    %dma_start3A_264 = arith.constant 256 : i32
    %dma_start3A_265 = arith.constant 0 : i32
    %dma_start3A_266 = tpu.memref_slice %arg6[%dma_start3A_264, %dma_start3A_265] : memref<512x128xf32, #tpu.memory_space<vmem>> -> memref<128x128xf32, #tpu.memory_space<vmem>>
    %dma_start3A_267 = arith.constant 1280 : i32
    %dma_start3A_268 = tpu.memref_slice %arg5[%dma_start3A_267] : memref<3584xi32, #tpu.memory_space<vmem>> -> memref<128xi32, #tpu.memory_space<vmem>>
    %dma_start3A_269 = arith.constant 0 : i32
    %dma_start3A_270 = arith.constant 0 : i32
    %dma_start3A_271 = tpu.memref_slice %arg3[%dma_start3A_263, %dma_start3A_269, %dma_start3A_270] : memref<8x1000x128xf32, #tpu.memory_space<hbm>> -> memref<1x1000x128xf32, #tpu.memory_space<hbm>>
    %dma_start3A_272 = tpu.memref_squeeze %dma_start3A_271 : memref<1x1000x128xf32, #tpu.memory_space<hbm>> -> memref<1000x128xf32, #tpu.memory_space<hbm>>
    %dma_start3A_273 = arith.constant 0 : i32
    %dma_start3A_274 = arith.constant 0 : i32
    %dma_start3A_275 = tpu.memref_slice %dma_start3A_272[%dma_start3A_273, %dma_start3A_274] : memref<1000x128xf32, #tpu.memory_space<hbm>> -> memref<1000x128xf32, #tpu.memory_space<hbm>>
    tpu.enqueue_indirect_dma source(%dma_start3A_275 : memref<1000x128xf32, #tpu.memory_space<hbm>>) target(%dma_start3A_266 : memref<128x128xf32, #tpu.memory_space<vmem>>) offsets(%dma_start3A_268 : memref<128xi32, #tpu.memory_space<vmem>>) semaphore(%arg8 : memref<!tpu.dma_semaphore, #tpu.memory_space<semaphore_mem>>) {add = true}
    %dma_start3A_276 = arith.constant 3 : i32
    %dma_start3A_277 = arith.constant 256 : i32
    %dma_start3A_278 = arith.constant 0 : i32
    %dma_start3A_279 = tpu.memref_slice %arg6[%dma_start3A_277, %dma_start3A_278] : memref<512x128xf32, #tpu.memory_space<vmem>> -> memref<128x128xf32, #tpu.memory_space<vmem>>
    %dma_start3A_280 = arith.constant 1792 : i32
    %dma_start3A_281 = tpu.memref_slice %arg5[%dma_start3A_280] : memref<3584xi32, #tpu.memory_space<vmem>> -> memref<128xi32, #tpu.memory_space<vmem>>
    %dma_start3A_282 = arith.constant 0 : i32
    %dma_start3A_283 = arith.constant 0 : i32
    %dma_start3A_284 = tpu.memref_slice %arg3[%dma_start3A_276, %dma_start3A_282, %dma_start3A_283] : memref<8x1000x128xf32, #tpu.memory_space<hbm>> -> memref<1x1000x128xf32, #tpu.memory_space<hbm>>
    %dma_start3A_285 = tpu.memref_squeeze %dma_start3A_284 : memref<1x1000x128xf32, #tpu.memory_space<hbm>> -> memref<1000x128xf32, #tpu.memory_space<hbm>>
    %dma_start3A_286 = arith.constant 0 : i32
    %dma_start3A_287 = arith.constant 0 : i32
    %dma_start3A_288 = tpu.memref_slice %dma_start3A_285[%dma_start3A_286, %dma_start3A_287] : memref<1000x128xf32, #tpu.memory_space<hbm>> -> memref<1000x128xf32, #tpu.memory_space<hbm>>
    tpu.enqueue_indirect_dma source(%dma_start3A_288 : memref<1000x128xf32, #tpu.memory_space<hbm>>) target(%dma_start3A_279 : memref<128x128xf32, #tpu.memory_space<vmem>>) offsets(%dma_start3A_281 : memref<128xi32, #tpu.memory_space<vmem>>) semaphore(%arg8 : memref<!tpu.dma_semaphore, #tpu.memory_space<semaphore_mem>>) {add = true}
    %dma_start3A_289 = arith.constant 4 : i32
    %dma_start3A_290 = arith.constant 256 : i32
    %dma_start3A_291 = arith.constant 0 : i32
    %dma_start3A_292 = tpu.memref_slice %arg6[%dma_start3A_290, %dma_start3A_291] : memref<512x128xf32, #tpu.memory_space<vmem>> -> memref<128x128xf32, #tpu.memory_space<vmem>>
    %dma_start3A_293 = arith.constant 2304 : i32
    %dma_start3A_294 = tpu.memref_slice %arg5[%dma_start3A_293] : memref<3584xi32, #tpu.memory_space<vmem>> -> memref<128xi32, #tpu.memory_space<vmem>>
    %dma_start3A_295 = arith.constant 0 : i32
    %dma_start3A_296 = arith.constant 0 : i32
    %dma_start3A_297 = tpu.memref_slice %arg3[%dma_start3A_289, %dma_start3A_295, %dma_start3A_296] : memref<8x1000x128xf32, #tpu.memory_space<hbm>> -> memref<1x1000x128xf32, #tpu.memory_space<hbm>>
    %dma_start3A_298 = tpu.memref_squeeze %dma_start3A_297 : memref<1x1000x128xf32, #tpu.memory_space<hbm>> -> memref<1000x128xf32, #tpu.memory_space<hbm>>
    %dma_start3A_299 = arith.constant 0 : i32
    %dma_start3A_300 = arith.constant 0 : i32
    %dma_start3A_301 = tpu.memref_slice %dma_start3A_298[%dma_start3A_299, %dma_start3A_300] : memref<1000x128xf32, #tpu.memory_space<hbm>> -> memref<1000x128xf32, #tpu.memory_space<hbm>>
    tpu.enqueue_indirect_dma source(%dma_start3A_301 : memref<1000x128xf32, #tpu.memory_space<hbm>>) target(%dma_start3A_292 : memref<128x128xf32, #tpu.memory_space<vmem>>) offsets(%dma_start3A_294 : memref<128xi32, #tpu.memory_space<vmem>>) semaphore(%arg8 : memref<!tpu.dma_semaphore, #tpu.memory_space<semaphore_mem>>) {add = true}
    %dma_start3A_302 = arith.constant 5 : i32
    %dma_start3A_303 = arith.constant 256 : i32
    %dma_start3A_304 = arith.constant 0 : i32
    %dma_start3A_305 = tpu.memref_slice %arg6[%dma_start3A_303, %dma_start3A_304] : memref<512x128xf32, #tpu.memory_space<vmem>> -> memref<128x128xf32, #tpu.memory_space<vmem>>
    %dma_start3A_306 = arith.constant 2816 : i32
    %dma_start3A_307 = tpu.memref_slice %arg5[%dma_start3A_306] : memref<3584xi32, #tpu.memory_space<vmem>> -> memref<128xi32, #tpu.memory_space<vmem>>
    %dma_start3A_308 = arith.constant 0 : i32
    %dma_start3A_309 = arith.constant 0 : i32
    %dma_start3A_310 = tpu.memref_slice %arg3[%dma_start3A_302, %dma_start3A_308, %dma_start3A_309] : memref<8x1000x128xf32, #tpu.memory_space<hbm>> -> memref<1x1000x128xf32, #tpu.memory_space<hbm>>
    %dma_start3A_311 = tpu.memref_squeeze %dma_start3A_310 : memref<1x1000x128xf32, #tpu.memory_space<hbm>> -> memref<1000x128xf32, #tpu.memory_space<hbm>>
    %dma_start3A_312 = arith.constant 0 : i32
    %dma_start3A_313 = arith.constant 0 : i32
    %dma_start3A_314 = tpu.memref_slice %dma_start3A_311[%dma_start3A_312, %dma_start3A_313] : memref<1000x128xf32, #tpu.memory_space<hbm>> -> memref<1000x128xf32, #tpu.memory_space<hbm>>
    tpu.enqueue_indirect_dma source(%dma_start3A_314 : memref<1000x128xf32, #tpu.memory_space<hbm>>) target(%dma_start3A_305 : memref<128x128xf32, #tpu.memory_space<vmem>>) offsets(%dma_start3A_307 : memref<128xi32, #tpu.memory_space<vmem>>) semaphore(%arg8 : memref<!tpu.dma_semaphore, #tpu.memory_space<semaphore_mem>>) {add = true}
    %dma_start3A_315 = arith.constant 6 : i32
    %dma_start3A_316 = arith.constant 256 : i32
    %dma_start3A_317 = arith.constant 0 : i32
    %dma_start3A_318 = tpu.memref_slice %arg6[%dma_start3A_316, %dma_start3A_317] : memref<512x128xf32, #tpu.memory_space<vmem>> -> memref<128x128xf32, #tpu.memory_space<vmem>>
    %dma_start3A_319 = arith.constant 3328 : i32
    %dma_start3A_320 = tpu.memref_slice %arg5[%dma_start3A_319] : memref<3584xi32, #tpu.memory_space<vmem>> -> memref<128xi32, #tpu.memory_space<vmem>>
    %dma_start3A_321 = arith.constant 0 : i32
    %dma_start3A_322 = arith.constant 0 : i32
    %dma_start3A_323 = tpu.memref_slice %arg3[%dma_start3A_315, %dma_start3A_321, %dma_start3A_322] : memref<8x1000x128xf32, #tpu.memory_space<hbm>> -> memref<1x1000x128xf32, #tpu.memory_space<hbm>>
    %dma_start3A_324 = tpu.memref_squeeze %dma_start3A_323 : memref<1x1000x128xf32, #tpu.memory_space<hbm>> -> memref<1000x128xf32, #tpu.memory_space<hbm>>
    %dma_start3A_325 = arith.constant 0 : i32
    %dma_start3A_326 = arith.constant 0 : i32
    %dma_start3A_327 = tpu.memref_slice %dma_start3A_324[%dma_start3A_325, %dma_start3A_326] : memref<1000x128xf32, #tpu.memory_space<hbm>> -> memref<1000x128xf32, #tpu.memory_space<hbm>>
    tpu.enqueue_indirect_dma source(%dma_start3A_327 : memref<1000x128xf32, #tpu.memory_space<hbm>>) target(%dma_start3A_318 : memref<128x128xf32, #tpu.memory_space<vmem>>) offsets(%dma_start3A_320 : memref<128xi32, #tpu.memory_space<vmem>>) semaphore(%arg8 : memref<!tpu.dma_semaphore, #tpu.memory_space<semaphore_mem>>) {add = true}
    %dma_wait3A_328 = arith.constant 0 : i32
    %dma_wait3A_329 = arith.constant 384 : i32
    %dma_wait3A_330 = arith.constant 0 : i32
    %dma_wait3A_331 = tpu.memref_slice %arg6[%dma_wait3A_329, %dma_wait3A_330] : memref<512x128xf32, #tpu.memory_space<vmem>> -> memref<128x128xf32, #tpu.memory_space<vmem>>
    %dma_wait3A_332 = arith.constant 384 : i32
    %dma_wait3A_333 = tpu.memref_slice %arg5[%dma_wait3A_332] : memref<3584xi32, #tpu.memory_space<vmem>> -> memref<128xi32, #tpu.memory_space<vmem>>
    %dma_wait3A_334 = arith.constant 0 : i32
    %dma_wait3A_335 = arith.constant 0 : i32
    %dma_wait3A_336 = tpu.memref_slice %arg3[%dma_wait3A_328, %dma_wait3A_334, %dma_wait3A_335] : memref<8x1000x128xf32, #tpu.memory_space<hbm>> -> memref<1x1000x128xf32, #tpu.memory_space<hbm>>
    %dma_wait3A_337 = tpu.memref_squeeze %dma_wait3A_336 : memref<1x1000x128xf32, #tpu.memory_space<hbm>> -> memref<1000x128xf32, #tpu.memory_space<hbm>>
    %dma_wait3A_338 = arith.constant 0 : i32
    %dma_wait3A_339 = arith.constant 0 : i32
    %dma_wait3A_340 = tpu.memref_slice %dma_wait3A_337[%dma_wait3A_338, %dma_wait3A_339] : memref<1000x128xf32, #tpu.memory_space<hbm>> -> memref<1000x128xf32, #tpu.memory_space<hbm>>
    tpu.wait_indirect_dma semaphore(%arg7 : memref<!tpu.dma_semaphore, #tpu.memory_space<semaphore_mem>>) src(%dma_wait3A_340 : memref<1000x128xf32, #tpu.memory_space<hbm>>) dst(%dma_wait3A_331 : memref<128x128xf32, #tpu.memory_space<vmem>>)
    %dma_start3A_341 = arith.constant 1 : i32
    %dma_start3A_342 = arith.constant 384 : i32
    %dma_start3A_343 = arith.constant 0 : i32
    %dma_start3A_344 = tpu.memref_slice %arg6[%dma_start3A_342, %dma_start3A_343] : memref<512x128xf32, #tpu.memory_space<vmem>> -> memref<128x128xf32, #tpu.memory_space<vmem>>
    %dma_start3A_345 = arith.constant 896 : i32
    %dma_start3A_346 = tpu.memref_slice %arg5[%dma_start3A_345] : memref<3584xi32, #tpu.memory_space<vmem>> -> memref<128xi32, #tpu.memory_space<vmem>>
    %dma_start3A_347 = arith.constant 0 : i32
    %dma_start3A_348 = arith.constant 0 : i32
    %dma_start3A_349 = tpu.memref_slice %arg3[%dma_start3A_341, %dma_start3A_347, %dma_start3A_348] : memref<8x1000x128xf32, #tpu.memory_space<hbm>> -> memref<1x1000x128xf32, #tpu.memory_space<hbm>>
    %dma_start3A_350 = tpu.memref_squeeze %dma_start3A_349 : memref<1x1000x128xf32, #tpu.memory_space<hbm>> -> memref<1000x128xf32, #tpu.memory_space<hbm>>
    %dma_start3A_351 = arith.constant 0 : i32
    %dma_start3A_352 = arith.constant 0 : i32
    %dma_start3A_353 = tpu.memref_slice %dma_start3A_350[%dma_start3A_351, %dma_start3A_352] : memref<1000x128xf32, #tpu.memory_space<hbm>> -> memref<1000x128xf32, #tpu.memory_space<hbm>>
    tpu.enqueue_indirect_dma source(%dma_start3A_353 : memref<1000x128xf32, #tpu.memory_space<hbm>>) target(%dma_start3A_344 : memref<128x128xf32, #tpu.memory_space<vmem>>) offsets(%dma_start3A_346 : memref<128xi32, #tpu.memory_space<vmem>>) semaphore(%arg8 : memref<!tpu.dma_semaphore, #tpu.memory_space<semaphore_mem>>) {add = true}
    %dma_start3A_354 = arith.constant 2 : i32
    %dma_start3A_355 = arith.constant 384 : i32
    %dma_start3A_356 = arith.constant 0 : i32
    %dma_start3A_357 = tpu.memref_slice %arg6[%dma_start3A_355, %dma_start3A_356] : memref<512x128xf32, #tpu.memory_space<vmem>> -> memref<128x128xf32, #tpu.memory_space<vmem>>
    %dma_start3A_358 = arith.constant 1408 : i32
    %dma_start3A_359 = tpu.memref_slice %arg5[%dma_start3A_358] : memref<3584xi32, #tpu.memory_space<vmem>> -> memref<128xi32, #tpu.memory_space<vmem>>
    %dma_start3A_360 = arith.constant 0 : i32
    %dma_start3A_361 = arith.constant 0 : i32
    %dma_start3A_362 = tpu.memref_slice %arg3[%dma_start3A_354, %dma_start3A_360, %dma_start3A_361] : memref<8x1000x128xf32, #tpu.memory_space<hbm>> -> memref<1x1000x128xf32, #tpu.memory_space<hbm>>
    %dma_start3A_363 = tpu.memref_squeeze %dma_start3A_362 : memref<1x1000x128xf32, #tpu.memory_space<hbm>> -> memref<1000x128xf32, #tpu.memory_space<hbm>>
    %dma_start3A_364 = arith.constant 0 : i32
    %dma_start3A_365 = arith.constant 0 : i32
    %dma_start3A_366 = tpu.memref_slice %dma_start3A_363[%dma_start3A_364, %dma_start3A_365] : memref<1000x128xf32, #tpu.memory_space<hbm>> -> memref<1000x128xf32, #tpu.memory_space<hbm>>
    tpu.enqueue_indirect_dma source(%dma_start3A_366 : memref<1000x128xf32, #tpu.memory_space<hbm>>) target(%dma_start3A_357 : memref<128x128xf32, #tpu.memory_space<vmem>>) offsets(%dma_start3A_359 : memref<128xi32, #tpu.memory_space<vmem>>) semaphore(%arg8 : memref<!tpu.dma_semaphore, #tpu.memory_space<semaphore_mem>>) {add = true}
    %dma_start3A_367 = arith.constant 3 : i32
    %dma_start3A_368 = arith.constant 384 : i32
    %dma_start3A_369 = arith.constant 0 : i32
    %dma_start3A_370 = tpu.memref_slice %arg6[%dma_start3A_368, %dma_start3A_369] : memref<512x128xf32, #tpu.memory_space<vmem>> -> memref<128x128xf32, #tpu.memory_space<vmem>>
    %dma_start3A_371 = arith.constant 1920 : i32
    %dma_start3A_372 = tpu.memref_slice %arg5[%dma_start3A_371] : memref<3584xi32, #tpu.memory_space<vmem>> -> memref<128xi32, #tpu.memory_space<vmem>>
    %dma_start3A_373 = arith.constant 0 : i32
    %dma_start3A_374 = arith.constant 0 : i32
    %dma_start3A_375 = tpu.memref_slice %arg3[%dma_start3A_367, %dma_start3A_373, %dma_start3A_374] : memref<8x1000x128xf32, #tpu.memory_space<hbm>> -> memref<1x1000x128xf32, #tpu.memory_space<hbm>>
    %dma_start3A_376 = tpu.memref_squeeze %dma_start3A_375 : memref<1x1000x128xf32, #tpu.memory_space<hbm>> -> memref<1000x128xf32, #tpu.memory_space<hbm>>
    %dma_start3A_377 = arith.constant 0 : i32
    %dma_start3A_378 = arith.constant 0 : i32
    %dma_start3A_379 = tpu.memref_slice %dma_start3A_376[%dma_start3A_377, %dma_start3A_378] : memref<1000x128xf32, #tpu.memory_space<hbm>> -> memref<1000x128xf32, #tpu.memory_space<hbm>>
    tpu.enqueue_indirect_dma source(%dma_start3A_379 : memref<1000x128xf32, #tpu.memory_space<hbm>>) target(%dma_start3A_370 : memref<128x128xf32, #tpu.memory_space<vmem>>) offsets(%dma_start3A_372 : memref<128xi32, #tpu.memory_space<vmem>>) semaphore(%arg8 : memref<!tpu.dma_semaphore, #tpu.memory_space<semaphore_mem>>) {add = true}
    %dma_start3A_380 = arith.constant 4 : i32
    %dma_start3A_381 = arith.constant 384 : i32
    %dma_start3A_382 = arith.constant 0 : i32
    %dma_start3A_383 = tpu.memref_slice %arg6[%dma_start3A_381, %dma_start3A_382] : memref<512x128xf32, #tpu.memory_space<vmem>> -> memref<128x128xf32, #tpu.memory_space<vmem>>
    %dma_start3A_384 = arith.constant 2432 : i32
    %dma_start3A_385 = tpu.memref_slice %arg5[%dma_start3A_384] : memref<3584xi32, #tpu.memory_space<vmem>> -> memref<128xi32, #tpu.memory_space<vmem>>
    %dma_start3A_386 = arith.constant 0 : i32
    %dma_start3A_387 = arith.constant 0 : i32
    %dma_start3A_388 = tpu.memref_slice %arg3[%dma_start3A_380, %dma_start3A_386, %dma_start3A_387] : memref<8x1000x128xf32, #tpu.memory_space<hbm>> -> memref<1x1000x128xf32, #tpu.memory_space<hbm>>
    %dma_start3A_389 = tpu.memref_squeeze %dma_start3A_388 : memref<1x1000x128xf32, #tpu.memory_space<hbm>> -> memref<1000x128xf32, #tpu.memory_space<hbm>>
    %dma_start3A_390 = arith.constant 0 : i32
    %dma_start3A_391 = arith.constant 0 : i32
    %dma_start3A_392 = tpu.memref_slice %dma_start3A_389[%dma_start3A_390, %dma_start3A_391] : memref<1000x128xf32, #tpu.memory_space<hbm>> -> memref<1000x128xf32, #tpu.memory_space<hbm>>
    tpu.enqueue_indirect_dma source(%dma_start3A_392 : memref<1000x128xf32, #tpu.memory_space<hbm>>) target(%dma_start3A_383 : memref<128x128xf32, #tpu.memory_space<vmem>>) offsets(%dma_start3A_385 : memref<128xi32, #tpu.memory_space<vmem>>) semaphore(%arg8 : memref<!tpu.dma_semaphore, #tpu.memory_space<semaphore_mem>>) {add = true}
    %dma_start3A_393 = arith.constant 5 : i32
    %dma_start3A_394 = arith.constant 384 : i32
    %dma_start3A_395 = arith.constant 0 : i32
    %dma_start3A_396 = tpu.memref_slice %arg6[%dma_start3A_394, %dma_start3A_395] : memref<512x128xf32, #tpu.memory_space<vmem>> -> memref<128x128xf32, #tpu.memory_space<vmem>>
    %dma_start3A_397 = arith.constant 2944 : i32
    %dma_start3A_398 = tpu.memref_slice %arg5[%dma_start3A_397] : memref<3584xi32, #tpu.memory_space<vmem>> -> memref<128xi32, #tpu.memory_space<vmem>>
    %dma_start3A_399 = arith.constant 0 : i32
    %dma_start3A_400 = arith.constant 0 : i32
    %dma_start3A_401 = tpu.memref_slice %arg3[%dma_start3A_393, %dma_start3A_399, %dma_start3A_400] : memref<8x1000x128xf32, #tpu.memory_space<hbm>> -> memref<1x1000x128xf32, #tpu.memory_space<hbm>>
    %dma_start3A_402 = tpu.memref_squeeze %dma_start3A_401 : memref<1x1000x128xf32, #tpu.memory_space<hbm>> -> memref<1000x128xf32, #tpu.memory_space<hbm>>
    %dma_start3A_403 = arith.constant 0 : i32
    %dma_start3A_404 = arith.constant 0 : i32
    %dma_start3A_405 = tpu.memref_slice %dma_start3A_402[%dma_start3A_403, %dma_start3A_404] : memref<1000x128xf32, #tpu.memory_space<hbm>> -> memref<1000x128xf32, #tpu.memory_space<hbm>>
    tpu.enqueue_indirect_dma source(%dma_start3A_405 : memref<1000x128xf32, #tpu.memory_space<hbm>>) target(%dma_start3A_396 : memref<128x128xf32, #tpu.memory_space<vmem>>) offsets(%dma_start3A_398 : memref<128xi32, #tpu.memory_space<vmem>>) semaphore(%arg8 : memref<!tpu.dma_semaphore, #tpu.memory_space<semaphore_mem>>) {add = true}
    %dma_start3A_406 = arith.constant 6 : i32
    %dma_start3A_407 = arith.constant 384 : i32
    %dma_start3A_408 = arith.constant 0 : i32
    %dma_start3A_409 = tpu.memref_slice %arg6[%dma_start3A_407, %dma_start3A_408] : memref<512x128xf32, #tpu.memory_space<vmem>> -> memref<128x128xf32, #tpu.memory_space<vmem>>
    %dma_start3A_410 = arith.constant 3456 : i32
    %dma_start3A_411 = tpu.memref_slice %arg5[%dma_start3A_410] : memref<3584xi32, #tpu.memory_space<vmem>> -> memref<128xi32, #tpu.memory_space<vmem>>
    %dma_start3A_412 = arith.constant 0 : i32
    %dma_start3A_413 = arith.constant 0 : i32
    %dma_start3A_414 = tpu.memref_slice %arg3[%dma_start3A_406, %dma_start3A_412, %dma_start3A_413] : memref<8x1000x128xf32, #tpu.memory_space<hbm>> -> memref<1x1000x128xf32, #tpu.memory_space<hbm>>
    %dma_start3A_415 = tpu.memref_squeeze %dma_start3A_414 : memref<1x1000x128xf32, #tpu.memory_space<hbm>> -> memref<1000x128xf32, #tpu.memory_space<hbm>>
    %dma_start3A_416 = arith.constant 0 : i32
    %dma_start3A_417 = arith.constant 0 : i32
    %dma_start3A_418 = tpu.memref_slice %dma_start3A_415[%dma_start3A_416, %dma_start3A_417] : memref<1000x128xf32, #tpu.memory_space<hbm>> -> memref<1000x128xf32, #tpu.memory_space<hbm>>
    tpu.enqueue_indirect_dma source(%dma_start3A_418 : memref<1000x128xf32, #tpu.memory_space<hbm>>) target(%dma_start3A_409 : memref<128x128xf32, #tpu.memory_space<vmem>>) offsets(%dma_start3A_411 : memref<128xi32, #tpu.memory_space<vmem>>) semaphore(%arg8 : memref<!tpu.dma_semaphore, #tpu.memory_space<semaphore_mem>>) {add = true}
    %dma_wait3A_419 = arith.constant 1 : i32
    %dma_wait3A_420 = arith.constant 0 : i32
    %dma_wait3A_421 = arith.constant 0 : i32
    %dma_wait3A_422 = tpu.memref_slice %arg6[%dma_wait3A_420, %dma_wait3A_421] : memref<512x128xf32, #tpu.memory_space<vmem>> -> memref<128x128xf32, #tpu.memory_space<vmem>>
    %dma_wait3A_423 = arith.constant 512 : i32
    %dma_wait3A_424 = tpu.memref_slice %arg5[%dma_wait3A_423] : memref<3584xi32, #tpu.memory_space<vmem>> -> memref<128xi32, #tpu.memory_space<vmem>>
    %dma_wait3A_425 = arith.constant 0 : i32
    %dma_wait3A_426 = arith.constant 0 : i32
    %dma_wait3A_427 = tpu.memref_slice %arg3[%dma_wait3A_419, %dma_wait3A_425, %dma_wait3A_426] : memref<8x1000x128xf32, #tpu.memory_space<hbm>> -> memref<1x1000x128xf32, #tpu.memory_space<hbm>>
    %dma_wait3A_428 = tpu.memref_squeeze %dma_wait3A_427 : memref<1x1000x128xf32, #tpu.memory_space<hbm>> -> memref<1000x128xf32, #tpu.memory_space<hbm>>
    %dma_wait3A_429 = arith.constant 0 : i32
    %dma_wait3A_430 = arith.constant 0 : i32
    %dma_wait3A_431 = tpu.memref_slice %dma_wait3A_428[%dma_wait3A_429, %dma_wait3A_430] : memref<1000x128xf32, #tpu.memory_space<hbm>> -> memref<1000x128xf32, #tpu.memory_space<hbm>>
    tpu.wait_indirect_dma semaphore(%arg8 : memref<!tpu.dma_semaphore, #tpu.memory_space<semaphore_mem>>) src(%dma_wait3A_431 : memref<1000x128xf32, #tpu.memory_space<hbm>>) dst(%dma_wait3A_422 : memref<128x128xf32, #tpu.memory_space<vmem>>)
    %dma_wait3A_432 = arith.constant 2 : i32
    %dma_wait3A_433 = arith.constant 0 : i32
    %dma_wait3A_434 = arith.constant 0 : i32
    %dma_wait3A_435 = tpu.memref_slice %arg6[%dma_wait3A_433, %dma_wait3A_434] : memref<512x128xf32, #tpu.memory_space<vmem>> -> memref<128x128xf32, #tpu.memory_space<vmem>>
    %dma_wait3A_436 = arith.constant 1024 : i32
    %dma_wait3A_437 = tpu.memref_slice %arg5[%dma_wait3A_436] : memref<3584xi32, #tpu.memory_space<vmem>> -> memref<128xi32, #tpu.memory_space<vmem>>
    %dma_wait3A_438 = arith.constant 0 : i32
    %dma_wait3A_439 = arith.constant 0 : i32
    %dma_wait3A_440 = tpu.memref_slice %arg3[%dma_wait3A_432, %dma_wait3A_438, %dma_wait3A_439] : memref<8x1000x128xf32, #tpu.memory_space<hbm>> -> memref<1x1000x128xf32, #tpu.memory_space<hbm>>
    %dma_wait3A_441 = tpu.memref_squeeze %dma_wait3A_440 : memref<1x1000x128xf32, #tpu.memory_space<hbm>> -> memref<1000x128xf32, #tpu.memory_space<hbm>>
    %dma_wait3A_442 = arith.constant 0 : i32
    %dma_wait3A_443 = arith.constant 0 : i32
    %dma_wait3A_444 = tpu.memref_slice %dma_wait3A_441[%dma_wait3A_442, %dma_wait3A_443] : memref<1000x128xf32, #tpu.memory_space<hbm>> -> memref<1000x128xf32, #tpu.memory_space<hbm>>
    tpu.wait_indirect_dma semaphore(%arg8 : memref<!tpu.dma_semaphore, #tpu.memory_space<semaphore_mem>>) src(%dma_wait3A_444 : memref<1000x128xf32, #tpu.memory_space<hbm>>) dst(%dma_wait3A_435 : memref<128x128xf32, #tpu.memory_space<vmem>>)
    %dma_wait3A_445 = arith.constant 3 : i32
    %dma_wait3A_446 = arith.constant 0 : i32
    %dma_wait3A_447 = arith.constant 0 : i32
    %dma_wait3A_448 = tpu.memref_slice %arg6[%dma_wait3A_446, %dma_wait3A_447] : memref<512x128xf32, #tpu.memory_space<vmem>> -> memref<128x128xf32, #tpu.memory_space<vmem>>
    %dma_wait3A_449 = arith.constant 1536 : i32
    %dma_wait3A_450 = tpu.memref_slice %arg5[%dma_wait3A_449] : memref<3584xi32, #tpu.memory_space<vmem>> -> memref<128xi32, #tpu.memory_space<vmem>>
    %dma_wait3A_451 = arith.constant 0 : i32
    %dma_wait3A_452 = arith.constant 0 : i32
    %dma_wait3A_453 = tpu.memref_slice %arg3[%dma_wait3A_445, %dma_wait3A_451, %dma_wait3A_452] : memref<8x1000x128xf32, #tpu.memory_space<hbm>> -> memref<1x1000x128xf32, #tpu.memory_space<hbm>>
    %dma_wait3A_454 = tpu.memref_squeeze %dma_wait3A_453 : memref<1x1000x128xf32, #tpu.memory_space<hbm>> -> memref<1000x128xf32, #tpu.memory_space<hbm>>
    %dma_wait3A_455 = arith.constant 0 : i32
    %dma_wait3A_456 = arith.constant 0 : i32
    %dma_wait3A_457 = tpu.memref_slice %dma_wait3A_454[%dma_wait3A_455, %dma_wait3A_456] : memref<1000x128xf32, #tpu.memory_space<hbm>> -> memref<1000x128xf32, #tpu.memory_space<hbm>>
    tpu.wait_indirect_dma semaphore(%arg8 : memref<!tpu.dma_semaphore, #tpu.memory_space<semaphore_mem>>) src(%dma_wait3A_457 : memref<1000x128xf32, #tpu.memory_space<hbm>>) dst(%dma_wait3A_448 : memref<128x128xf32, #tpu.memory_space<vmem>>)
    %dma_wait3A_458 = arith.constant 4 : i32
    %dma_wait3A_459 = arith.constant 0 : i32
    %dma_wait3A_460 = arith.constant 0 : i32
    %dma_wait3A_461 = tpu.memref_slice %arg6[%dma_wait3A_459, %dma_wait3A_460] : memref<512x128xf32, #tpu.memory_space<vmem>> -> memref<128x128xf32, #tpu.memory_space<vmem>>
    %dma_wait3A_462 = arith.constant 2048 : i32
    %dma_wait3A_463 = tpu.memref_slice %arg5[%dma_wait3A_462] : memref<3584xi32, #tpu.memory_space<vmem>> -> memref<128xi32, #tpu.memory_space<vmem>>
    %dma_wait3A_464 = arith.constant 0 : i32
    %dma_wait3A_465 = arith.constant 0 : i32
    %dma_wait3A_466 = tpu.memref_slice %arg3[%dma_wait3A_458, %dma_wait3A_464, %dma_wait3A_465] : memref<8x1000x128xf32, #tpu.memory_space<hbm>> -> memref<1x1000x128xf32, #tpu.memory_space<hbm>>
    %dma_wait3A_467 = tpu.memref_squeeze %dma_wait3A_466 : memref<1x1000x128xf32, #tpu.memory_space<hbm>> -> memref<1000x128xf32, #tpu.memory_space<hbm>>
    %dma_wait3A_468 = arith.constant 0 : i32
    %dma_wait3A_469 = arith.constant 0 : i32
    %dma_wait3A_470 = tpu.memref_slice %dma_wait3A_467[%dma_wait3A_468, %dma_wait3A_469] : memref<1000x128xf32, #tpu.memory_space<hbm>> -> memref<1000x128xf32, #tpu.memory_space<hbm>>
    tpu.wait_indirect_dma semaphore(%arg8 : memref<!tpu.dma_semaphore, #tpu.memory_space<semaphore_mem>>) src(%dma_wait3A_470 : memref<1000x128xf32, #tpu.memory_space<hbm>>) dst(%dma_wait3A_461 : memref<128x128xf32, #tpu.memory_space<vmem>>)
    %dma_wait3A_471 = arith.constant 5 : i32
    %dma_wait3A_472 = arith.constant 0 : i32
    %dma_wait3A_473 = arith.constant 0 : i32
    %dma_wait3A_474 = tpu.memref_slice %arg6[%dma_wait3A_472, %dma_wait3A_473] : memref<512x128xf32, #tpu.memory_space<vmem>> -> memref<128x128xf32, #tpu.memory_space<vmem>>
    %dma_wait3A_475 = arith.constant 2560 : i32
    %dma_wait3A_476 = tpu.memref_slice %arg5[%dma_wait3A_475] : memref<3584xi32, #tpu.memory_space<vmem>> -> memref<128xi32, #tpu.memory_space<vmem>>
    %dma_wait3A_477 = arith.constant 0 : i32
    %dma_wait3A_478 = arith.constant 0 : i32
    %dma_wait3A_479 = tpu.memref_slice %arg3[%dma_wait3A_471, %dma_wait3A_477, %dma_wait3A_478] : memref<8x1000x128xf32, #tpu.memory_space<hbm>> -> memref<1x1000x128xf32, #tpu.memory_space<hbm>>
    %dma_wait3A_480 = tpu.memref_squeeze %dma_wait3A_479 : memref<1x1000x128xf32, #tpu.memory_space<hbm>> -> memref<1000x128xf32, #tpu.memory_space<hbm>>
    %dma_wait3A_481 = arith.constant 0 : i32
    %dma_wait3A_482 = arith.constant 0 : i32
    %dma_wait3A_483 = tpu.memref_slice %dma_wait3A_480[%dma_wait3A_481, %dma_wait3A_482] : memref<1000x128xf32, #tpu.memory_space<hbm>> -> memref<1000x128xf32, #tpu.memory_space<hbm>>
    tpu.wait_indirect_dma semaphore(%arg8 : memref<!tpu.dma_semaphore, #tpu.memory_space<semaphore_mem>>) src(%dma_wait3A_483 : memref<1000x128xf32, #tpu.memory_space<hbm>>) dst(%dma_wait3A_474 : memref<128x128xf32, #tpu.memory_space<vmem>>)
    %dma_wait3A_484 = arith.constant 6 : i32
    %dma_wait3A_485 = arith.constant 0 : i32
    %dma_wait3A_486 = arith.constant 0 : i32
    %dma_wait3A_487 = tpu.memref_slice %arg6[%dma_wait3A_485, %dma_wait3A_486] : memref<512x128xf32, #tpu.memory_space<vmem>> -> memref<128x128xf32, #tpu.memory_space<vmem>>
    %dma_wait3A_488 = arith.constant 3072 : i32
    %dma_wait3A_489 = tpu.memref_slice %arg5[%dma_wait3A_488] : memref<3584xi32, #tpu.memory_space<vmem>> -> memref<128xi32, #tpu.memory_space<vmem>>
    %dma_wait3A_490 = arith.constant 0 : i32
    %dma_wait3A_491 = arith.constant 0 : i32
    %dma_wait3A_492 = tpu.memref_slice %arg3[%dma_wait3A_484, %dma_wait3A_490, %dma_wait3A_491] : memref<8x1000x128xf32, #tpu.memory_space<hbm>> -> memref<1x1000x128xf32, #tpu.memory_space<hbm>>
    %dma_wait3A_493 = tpu.memref_squeeze %dma_wait3A_492 : memref<1x1000x128xf32, #tpu.memory_space<hbm>> -> memref<1000x128xf32, #tpu.memory_space<hbm>>
    %dma_wait3A_494 = arith.constant 0 : i32
    %dma_wait3A_495 = arith.constant 0 : i32
    %dma_wait3A_496 = tpu.memref_slice %dma_wait3A_493[%dma_wait3A_494, %dma_wait3A_495] : memref<1000x128xf32, #tpu.memory_space<hbm>> -> memref<1000x128xf32, #tpu.memory_space<hbm>>
    tpu.wait_indirect_dma semaphore(%arg8 : memref<!tpu.dma_semaphore, #tpu.memory_space<semaphore_mem>>) src(%dma_wait3A_496 : memref<1000x128xf32, #tpu.memory_space<hbm>>) dst(%dma_wait3A_487 : memref<128x128xf32, #tpu.memory_space<vmem>>)
    %dma_wait3A_497 = arith.constant 1 : i32
    %dma_wait3A_498 = arith.constant 128 : i32
    %dma_wait3A_499 = arith.constant 0 : i32
    %dma_wait3A_500 = tpu.memref_slice %arg6[%dma_wait3A_498, %dma_wait3A_499] : memref<512x128xf32, #tpu.memory_space<vmem>> -> memref<128x128xf32, #tpu.memory_space<vmem>>
    %dma_wait3A_501 = arith.constant 640 : i32
    %dma_wait3A_502 = tpu.memref_slice %arg5[%dma_wait3A_501] : memref<3584xi32, #tpu.memory_space<vmem>> -> memref<128xi32, #tpu.memory_space<vmem>>
    %dma_wait3A_503 = arith.constant 0 : i32
    %dma_wait3A_504 = arith.constant 0 : i32
    %dma_wait3A_505 = tpu.memref_slice %arg3[%dma_wait3A_497, %dma_wait3A_503, %dma_wait3A_504] : memref<8x1000x128xf32, #tpu.memory_space<hbm>> -> memref<1x1000x128xf32, #tpu.memory_space<hbm>>
    %dma_wait3A_506 = tpu.memref_squeeze %dma_wait3A_505 : memref<1x1000x128xf32, #tpu.memory_space<hbm>> -> memref<1000x128xf32, #tpu.memory_space<hbm>>
    %dma_wait3A_507 = arith.constant 0 : i32
    %dma_wait3A_508 = arith.constant 0 : i32
    %dma_wait3A_509 = tpu.memref_slice %dma_wait3A_506[%dma_wait3A_507, %dma_wait3A_508] : memref<1000x128xf32, #tpu.memory_space<hbm>> -> memref<1000x128xf32, #tpu.memory_space<hbm>>
    tpu.wait_indirect_dma semaphore(%arg8 : memref<!tpu.dma_semaphore, #tpu.memory_space<semaphore_mem>>) src(%dma_wait3A_509 : memref<1000x128xf32, #tpu.memory_space<hbm>>) dst(%dma_wait3A_500 : memref<128x128xf32, #tpu.memory_space<vmem>>)
    %dma_wait3A_510 = arith.constant 2 : i32
    %dma_wait3A_511 = arith.constant 128 : i32
    %dma_wait3A_512 = arith.constant 0 : i32
    %dma_wait3A_513 = tpu.memref_slice %arg6[%dma_wait3A_511, %dma_wait3A_512] : memref<512x128xf32, #tpu.memory_space<vmem>> -> memref<128x128xf32, #tpu.memory_space<vmem>>
    %dma_wait3A_514 = arith.constant 1152 : i32
    %dma_wait3A_515 = tpu.memref_slice %arg5[%dma_wait3A_514] : memref<3584xi32, #tpu.memory_space<vmem>> -> memref<128xi32, #tpu.memory_space<vmem>>
    %dma_wait3A_516 = arith.constant 0 : i32
    %dma_wait3A_517 = arith.constant 0 : i32
    %dma_wait3A_518 = tpu.memref_slice %arg3[%dma_wait3A_510, %dma_wait3A_516, %dma_wait3A_517] : memref<8x1000x128xf32, #tpu.memory_space<hbm>> -> memref<1x1000x128xf32, #tpu.memory_space<hbm>>
    %dma_wait3A_519 = tpu.memref_squeeze %dma_wait3A_518 : memref<1x1000x128xf32, #tpu.memory_space<hbm>> -> memref<1000x128xf32, #tpu.memory_space<hbm>>
    %dma_wait3A_520 = arith.constant 0 : i32
    %dma_wait3A_521 = arith.constant 0 : i32
    %dma_wait3A_522 = tpu.memref_slice %dma_wait3A_519[%dma_wait3A_520, %dma_wait3A_521] : memref<1000x128xf32, #tpu.memory_space<hbm>> -> memref<1000x128xf32, #tpu.memory_space<hbm>>
    tpu.wait_indirect_dma semaphore(%arg8 : memref<!tpu.dma_semaphore, #tpu.memory_space<semaphore_mem>>) src(%dma_wait3A_522 : memref<1000x128xf32, #tpu.memory_space<hbm>>) dst(%dma_wait3A_513 : memref<128x128xf32, #tpu.memory_space<vmem>>)
    %dma_wait3A_523 = arith.constant 3 : i32
    %dma_wait3A_524 = arith.constant 128 : i32
    %dma_wait3A_525 = arith.constant 0 : i32
    %dma_wait3A_526 = tpu.memref_slice %arg6[%dma_wait3A_524, %dma_wait3A_525] : memref<512x128xf32, #tpu.memory_space<vmem>> -> memref<128x128xf32, #tpu.memory_space<vmem>>
    %dma_wait3A_527 = arith.constant 1664 : i32
    %dma_wait3A_528 = tpu.memref_slice %arg5[%dma_wait3A_527] : memref<3584xi32, #tpu.memory_space<vmem>> -> memref<128xi32, #tpu.memory_space<vmem>>
    %dma_wait3A_529 = arith.constant 0 : i32
    %dma_wait3A_530 = arith.constant 0 : i32
    %dma_wait3A_531 = tpu.memref_slice %arg3[%dma_wait3A_523, %dma_wait3A_529, %dma_wait3A_530] : memref<8x1000x128xf32, #tpu.memory_space<hbm>> -> memref<1x1000x128xf32, #tpu.memory_space<hbm>>
    %dma_wait3A_532 = tpu.memref_squeeze %dma_wait3A_531 : memref<1x1000x128xf32, #tpu.memory_space<hbm>> -> memref<1000x128xf32, #tpu.memory_space<hbm>>
    %dma_wait3A_533 = arith.constant 0 : i32
    %dma_wait3A_534 = arith.constant 0 : i32
    %dma_wait3A_535 = tpu.memref_slice %dma_wait3A_532[%dma_wait3A_533, %dma_wait3A_534] : memref<1000x128xf32, #tpu.memory_space<hbm>> -> memref<1000x128xf32, #tpu.memory_space<hbm>>
    tpu.wait_indirect_dma semaphore(%arg8 : memref<!tpu.dma_semaphore, #tpu.memory_space<semaphore_mem>>) src(%dma_wait3A_535 : memref<1000x128xf32, #tpu.memory_space<hbm>>) dst(%dma_wait3A_526 : memref<128x128xf32, #tpu.memory_space<vmem>>)
    %dma_wait3A_536 = arith.constant 4 : i32
    %dma_wait3A_537 = arith.constant 128 : i32
    %dma_wait3A_538 = arith.constant 0 : i32
    %dma_wait3A_539 = tpu.memref_slice %arg6[%dma_wait3A_537, %dma_wait3A_538] : memref<512x128xf32, #tpu.memory_space<vmem>> -> memref<128x128xf32, #tpu.memory_space<vmem>>
    %dma_wait3A_540 = arith.constant 2176 : i32
    %dma_wait3A_541 = tpu.memref_slice %arg5[%dma_wait3A_540] : memref<3584xi32, #tpu.memory_space<vmem>> -> memref<128xi32, #tpu.memory_space<vmem>>
    %dma_wait3A_542 = arith.constant 0 : i32
    %dma_wait3A_543 = arith.constant 0 : i32
    %dma_wait3A_544 = tpu.memref_slice %arg3[%dma_wait3A_536, %dma_wait3A_542, %dma_wait3A_543] : memref<8x1000x128xf32, #tpu.memory_space<hbm>> -> memref<1x1000x128xf32, #tpu.memory_space<hbm>>
    %dma_wait3A_545 = tpu.memref_squeeze %dma_wait3A_544 : memref<1x1000x128xf32, #tpu.memory_space<hbm>> -> memref<1000x128xf32, #tpu.memory_space<hbm>>
    %dma_wait3A_546 = arith.constant 0 : i32
    %dma_wait3A_547 = arith.constant 0 : i32
    %dma_wait3A_548 = tpu.memref_slice %dma_wait3A_545[%dma_wait3A_546, %dma_wait3A_547] : memref<1000x128xf32, #tpu.memory_space<hbm>> -> memref<1000x128xf32, #tpu.memory_space<hbm>>
    tpu.wait_indirect_dma semaphore(%arg8 : memref<!tpu.dma_semaphore, #tpu.memory_space<semaphore_mem>>) src(%dma_wait3A_548 : memref<1000x128xf32, #tpu.memory_space<hbm>>) dst(%dma_wait3A_539 : memref<128x128xf32, #tpu.memory_space<vmem>>)
    %dma_wait3A_549 = arith.constant 5 : i32
    %dma_wait3A_550 = arith.constant 128 : i32
    %dma_wait3A_551 = arith.constant 0 : i32
    %dma_wait3A_552 = tpu.memref_slice %arg6[%dma_wait3A_550, %dma_wait3A_551] : memref<512x128xf32, #tpu.memory_space<vmem>> -> memref<128x128xf32, #tpu.memory_space<vmem>>
    %dma_wait3A_553 = arith.constant 2688 : i32
    %dma_wait3A_554 = tpu.memref_slice %arg5[%dma_wait3A_553] : memref<3584xi32, #tpu.memory_space<vmem>> -> memref<128xi32, #tpu.memory_space<vmem>>
    %dma_wait3A_555 = arith.constant 0 : i32
    %dma_wait3A_556 = arith.constant 0 : i32
    %dma_wait3A_557 = tpu.memref_slice %arg3[%dma_wait3A_549, %dma_wait3A_555, %dma_wait3A_556] : memref<8x1000x128xf32, #tpu.memory_space<hbm>> -> memref<1x1000x128xf32, #tpu.memory_space<hbm>>
    %dma_wait3A_558 = tpu.memref_squeeze %dma_wait3A_557 : memref<1x1000x128xf32, #tpu.memory_space<hbm>> -> memref<1000x128xf32, #tpu.memory_space<hbm>>
    %dma_wait3A_559 = arith.constant 0 : i32
    %dma_wait3A_560 = arith.constant 0 : i32
    %dma_wait3A_561 = tpu.memref_slice %dma_wait3A_558[%dma_wait3A_559, %dma_wait3A_560] : memref<1000x128xf32, #tpu.memory_space<hbm>> -> memref<1000x128xf32, #tpu.memory_space<hbm>>
    tpu.wait_indirect_dma semaphore(%arg8 : memref<!tpu.dma_semaphore, #tpu.memory_space<semaphore_mem>>) src(%dma_wait3A_561 : memref<1000x128xf32, #tpu.memory_space<hbm>>) dst(%dma_wait3A_552 : memref<128x128xf32, #tpu.memory_space<vmem>>)
    %dma_wait3A_562 = arith.constant 6 : i32
    %dma_wait3A_563 = arith.constant 128 : i32
    %dma_wait3A_564 = arith.constant 0 : i32
    %dma_wait3A_565 = tpu.memref_slice %arg6[%dma_wait3A_563, %dma_wait3A_564] : memref<512x128xf32, #tpu.memory_space<vmem>> -> memref<128x128xf32, #tpu.memory_space<vmem>>
    %dma_wait3A_566 = arith.constant 3200 : i32
    %dma_wait3A_567 = tpu.memref_slice %arg5[%dma_wait3A_566] : memref<3584xi32, #tpu.memory_space<vmem>> -> memref<128xi32, #tpu.memory_space<vmem>>
    %dma_wait3A_568 = arith.constant 0 : i32
    %dma_wait3A_569 = arith.constant 0 : i32
    %dma_wait3A_570 = tpu.memref_slice %arg3[%dma_wait3A_562, %dma_wait3A_568, %dma_wait3A_569] : memref<8x1000x128xf32, #tpu.memory_space<hbm>> -> memref<1x1000x128xf32, #tpu.memory_space<hbm>>
    %dma_wait3A_571 = tpu.memref_squeeze %dma_wait3A_570 : memref<1x1000x128xf32, #tpu.memory_space<hbm>> -> memref<1000x128xf32, #tpu.memory_space<hbm>>
    %dma_wait3A_572 = arith.constant 0 : i32
    %dma_wait3A_573 = arith.constant 0 : i32
    %dma_wait3A_574 = tpu.memref_slice %dma_wait3A_571[%dma_wait3A_572, %dma_wait3A_573] : memref<1000x128xf32, #tpu.memory_space<hbm>> -> memref<1000x128xf32, #tpu.memory_space<hbm>>
    tpu.wait_indirect_dma semaphore(%arg8 : memref<!tpu.dma_semaphore, #tpu.memory_space<semaphore_mem>>) src(%dma_wait3A_574 : memref<1000x128xf32, #tpu.memory_space<hbm>>) dst(%dma_wait3A_565 : memref<128x128xf32, #tpu.memory_space<vmem>>)
    %dma_wait3A_575 = arith.constant 1 : i32
    %dma_wait3A_576 = arith.constant 256 : i32
    %dma_wait3A_577 = arith.constant 0 : i32
    %dma_wait3A_578 = tpu.memref_slice %arg6[%dma_wait3A_576, %dma_wait3A_577] : memref<512x128xf32, #tpu.memory_space<vmem>> -> memref<128x128xf32, #tpu.memory_space<vmem>>
    %dma_wait3A_579 = arith.constant 768 : i32
    %dma_wait3A_580 = tpu.memref_slice %arg5[%dma_wait3A_579] : memref<3584xi32, #tpu.memory_space<vmem>> -> memref<128xi32, #tpu.memory_space<vmem>>
    %dma_wait3A_581 = arith.constant 0 : i32
    %dma_wait3A_582 = arith.constant 0 : i32
    %dma_wait3A_583 = tpu.memref_slice %arg3[%dma_wait3A_575, %dma_wait3A_581, %dma_wait3A_582] : memref<8x1000x128xf32, #tpu.memory_space<hbm>> -> memref<1x1000x128xf32, #tpu.memory_space<hbm>>
    %dma_wait3A_584 = tpu.memref_squeeze %dma_wait3A_583 : memref<1x1000x128xf32, #tpu.memory_space<hbm>> -> memref<1000x128xf32, #tpu.memory_space<hbm>>
    %dma_wait3A_585 = arith.constant 0 : i32
    %dma_wait3A_586 = arith.constant 0 : i32
    %dma_wait3A_587 = tpu.memref_slice %dma_wait3A_584[%dma_wait3A_585, %dma_wait3A_586] : memref<1000x128xf32, #tpu.memory_space<hbm>> -> memref<1000x128xf32, #tpu.memory_space<hbm>>
    tpu.wait_indirect_dma semaphore(%arg8 : memref<!tpu.dma_semaphore, #tpu.memory_space<semaphore_mem>>) src(%dma_wait3A_587 : memref<1000x128xf32, #tpu.memory_space<hbm>>) dst(%dma_wait3A_578 : memref<128x128xf32, #tpu.memory_space<vmem>>)
    %dma_wait3A_588 = arith.constant 2 : i32
    %dma_wait3A_589 = arith.constant 256 : i32
    %dma_wait3A_590 = arith.constant 0 : i32
    %dma_wait3A_591 = tpu.memref_slice %arg6[%dma_wait3A_589, %dma_wait3A_590] : memref<512x128xf32, #tpu.memory_space<vmem>> -> memref<128x128xf32, #tpu.memory_space<vmem>>
    %dma_wait3A_592 = arith.constant 1280 : i32
    %dma_wait3A_593 = tpu.memref_slice %arg5[%dma_wait3A_592] : memref<3584xi32, #tpu.memory_space<vmem>> -> memref<128xi32, #tpu.memory_space<vmem>>
    %dma_wait3A_594 = arith.constant 0 : i32
    %dma_wait3A_595 = arith.constant 0 : i32
    %dma_wait3A_596 = tpu.memref_slice %arg3[%dma_wait3A_588, %dma_wait3A_594, %dma_wait3A_595] : memref<8x1000x128xf32, #tpu.memory_space<hbm>> -> memref<1x1000x128xf32, #tpu.memory_space<hbm>>
    %dma_wait3A_597 = tpu.memref_squeeze %dma_wait3A_596 : memref<1x1000x128xf32, #tpu.memory_space<hbm>> -> memref<1000x128xf32, #tpu.memory_space<hbm>>
    %dma_wait3A_598 = arith.constant 0 : i32
    %dma_wait3A_599 = arith.constant 0 : i32
    %dma_wait3A_600 = tpu.memref_slice %dma_wait3A_597[%dma_wait3A_598, %dma_wait3A_599] : memref<1000x128xf32, #tpu.memory_space<hbm>> -> memref<1000x128xf32, #tpu.memory_space<hbm>>
    tpu.wait_indirect_dma semaphore(%arg8 : memref<!tpu.dma_semaphore, #tpu.memory_space<semaphore_mem>>) src(%dma_wait3A_600 : memref<1000x128xf32, #tpu.memory_space<hbm>>) dst(%dma_wait3A_591 : memref<128x128xf32, #tpu.memory_space<vmem>>)
    %dma_wait3A_601 = arith.constant 3 : i32
    %dma_wait3A_602 = arith.constant 256 : i32
    %dma_wait3A_603 = arith.constant 0 : i32
    %dma_wait3A_604 = tpu.memref_slice %arg6[%dma_wait3A_602, %dma_wait3A_603] : memref<512x128xf32, #tpu.memory_space<vmem>> -> memref<128x128xf32, #tpu.memory_space<vmem>>
    %dma_wait3A_605 = arith.constant 1792 : i32
    %dma_wait3A_606 = tpu.memref_slice %arg5[%dma_wait3A_605] : memref<3584xi32, #tpu.memory_space<vmem>> -> memref<128xi32, #tpu.memory_space<vmem>>
    %dma_wait3A_607 = arith.constant 0 : i32
    %dma_wait3A_608 = arith.constant 0 : i32
    %dma_wait3A_609 = tpu.memref_slice %arg3[%dma_wait3A_601, %dma_wait3A_607, %dma_wait3A_608] : memref<8x1000x128xf32, #tpu.memory_space<hbm>> -> memref<1x1000x128xf32, #tpu.memory_space<hbm>>
    %dma_wait3A_610 = tpu.memref_squeeze %dma_wait3A_609 : memref<1x1000x128xf32, #tpu.memory_space<hbm>> -> memref<1000x128xf32, #tpu.memory_space<hbm>>
    %dma_wait3A_611 = arith.constant 0 : i32
    %dma_wait3A_612 = arith.constant 0 : i32
    %dma_wait3A_613 = tpu.memref_slice %dma_wait3A_610[%dma_wait3A_611, %dma_wait3A_612] : memref<1000x128xf32, #tpu.memory_space<hbm>> -> memref<1000x128xf32, #tpu.memory_space<hbm>>
    tpu.wait_indirect_dma semaphore(%arg8 : memref<!tpu.dma_semaphore, #tpu.memory_space<semaphore_mem>>) src(%dma_wait3A_613 : memref<1000x128xf32, #tpu.memory_space<hbm>>) dst(%dma_wait3A_604 : memref<128x128xf32, #tpu.memory_space<vmem>>)
    %dma_wait3A_614 = arith.constant 4 : i32
    %dma_wait3A_615 = arith.constant 256 : i32
    %dma_wait3A_616 = arith.constant 0 : i32
    %dma_wait3A_617 = tpu.memref_slice %arg6[%dma_wait3A_615, %dma_wait3A_616] : memref<512x128xf32, #tpu.memory_space<vmem>> -> memref<128x128xf32, #tpu.memory_space<vmem>>
    %dma_wait3A_618 = arith.constant 2304 : i32
    %dma_wait3A_619 = tpu.memref_slice %arg5[%dma_wait3A_618] : memref<3584xi32, #tpu.memory_space<vmem>> -> memref<128xi32, #tpu.memory_space<vmem>>
    %dma_wait3A_620 = arith.constant 0 : i32
    %dma_wait3A_621 = arith.constant 0 : i32
    %dma_wait3A_622 = tpu.memref_slice %arg3[%dma_wait3A_614, %dma_wait3A_620, %dma_wait3A_621] : memref<8x1000x128xf32, #tpu.memory_space<hbm>> -> memref<1x1000x128xf32, #tpu.memory_space<hbm>>
    %dma_wait3A_623 = tpu.memref_squeeze %dma_wait3A_622 : memref<1x1000x128xf32, #tpu.memory_space<hbm>> -> memref<1000x128xf32, #tpu.memory_space<hbm>>
    %dma_wait3A_624 = arith.constant 0 : i32
    %dma_wait3A_625 = arith.constant 0 : i32
    %dma_wait3A_626 = tpu.memref_slice %dma_wait3A_623[%dma_wait3A_624, %dma_wait3A_625] : memref<1000x128xf32, #tpu.memory_space<hbm>> -> memref<1000x128xf32, #tpu.memory_space<hbm>>
    tpu.wait_indirect_dma semaphore(%arg8 : memref<!tpu.dma_semaphore, #tpu.memory_space<semaphore_mem>>) src(%dma_wait3A_626 : memref<1000x128xf32, #tpu.memory_space<hbm>>) dst(%dma_wait3A_617 : memref<128x128xf32, #tpu.memory_space<vmem>>)
    %dma_wait3A_627 = arith.constant 5 : i32
    %dma_wait3A_628 = arith.constant 256 : i32
    %dma_wait3A_629 = arith.constant 0 : i32
    %dma_wait3A_630 = tpu.memref_slice %arg6[%dma_wait3A_628, %dma_wait3A_629] : memref<512x128xf32, #tpu.memory_space<vmem>> -> memref<128x128xf32, #tpu.memory_space<vmem>>
    %dma_wait3A_631 = arith.constant 2816 : i32
    %dma_wait3A_632 = tpu.memref_slice %arg5[%dma_wait3A_631] : memref<3584xi32, #tpu.memory_space<vmem>> -> memref<128xi32, #tpu.memory_space<vmem>>
    %dma_wait3A_633 = arith.constant 0 : i32
    %dma_wait3A_634 = arith.constant 0 : i32
    %dma_wait3A_635 = tpu.memref_slice %arg3[%dma_wait3A_627, %dma_wait3A_633, %dma_wait3A_634] : memref<8x1000x128xf32, #tpu.memory_space<hbm>> -> memref<1x1000x128xf32, #tpu.memory_space<hbm>>
    %dma_wait3A_636 = tpu.memref_squeeze %dma_wait3A_635 : memref<1x1000x128xf32, #tpu.memory_space<hbm>> -> memref<1000x128xf32, #tpu.memory_space<hbm>>
    %dma_wait3A_637 = arith.constant 0 : i32
    %dma_wait3A_638 = arith.constant 0 : i32
    %dma_wait3A_639 = tpu.memref_slice %dma_wait3A_636[%dma_wait3A_637, %dma_wait3A_638] : memref<1000x128xf32, #tpu.memory_space<hbm>> -> memref<1000x128xf32, #tpu.memory_space<hbm>>
    tpu.wait_indirect_dma semaphore(%arg8 : memref<!tpu.dma_semaphore, #tpu.memory_space<semaphore_mem>>) src(%dma_wait3A_639 : memref<1000x128xf32, #tpu.memory_space<hbm>>) dst(%dma_wait3A_630 : memref<128x128xf32, #tpu.memory_space<vmem>>)
    %dma_wait3A_640 = arith.constant 6 : i32
    %dma_wait3A_641 = arith.constant 256 : i32
    %dma_wait3A_642 = arith.constant 0 : i32
    %dma_wait3A_643 = tpu.memref_slice %arg6[%dma_wait3A_641, %dma_wait3A_642] : memref<512x128xf32, #tpu.memory_space<vmem>> -> memref<128x128xf32, #tpu.memory_space<vmem>>
    %dma_wait3A_644 = arith.constant 3328 : i32
    %dma_wait3A_645 = tpu.memref_slice %arg5[%dma_wait3A_644] : memref<3584xi32, #tpu.memory_space<vmem>> -> memref<128xi32, #tpu.memory_space<vmem>>
    %dma_wait3A_646 = arith.constant 0 : i32
    %dma_wait3A_647 = arith.constant 0 : i32
    %dma_wait3A_648 = tpu.memref_slice %arg3[%dma_wait3A_640, %dma_wait3A_646, %dma_wait3A_647] : memref<8x1000x128xf32, #tpu.memory_space<hbm>> -> memref<1x1000x128xf32, #tpu.memory_space<hbm>>
    %dma_wait3A_649 = tpu.memref_squeeze %dma_wait3A_648 : memref<1x1000x128xf32, #tpu.memory_space<hbm>> -> memref<1000x128xf32, #tpu.memory_space<hbm>>
    %dma_wait3A_650 = arith.constant 0 : i32
    %dma_wait3A_651 = arith.constant 0 : i32
    %dma_wait3A_652 = tpu.memref_slice %dma_wait3A_649[%dma_wait3A_650, %dma_wait3A_651] : memref<1000x128xf32, #tpu.memory_space<hbm>> -> memref<1000x128xf32, #tpu.memory_space<hbm>>
    tpu.wait_indirect_dma semaphore(%arg8 : memref<!tpu.dma_semaphore, #tpu.memory_space<semaphore_mem>>) src(%dma_wait3A_652 : memref<1000x128xf32, #tpu.memory_space<hbm>>) dst(%dma_wait3A_643 : memref<128x128xf32, #tpu.memory_space<vmem>>)
    %dma_wait3A_653 = arith.constant 1 : i32
    %dma_wait3A_654 = arith.constant 384 : i32
    %dma_wait3A_655 = arith.constant 0 : i32
    %dma_wait3A_656 = tpu.memref_slice %arg6[%dma_wait3A_654, %dma_wait3A_655] : memref<512x128xf32, #tpu.memory_space<vmem>> -> memref<128x128xf32, #tpu.memory_space<vmem>>
    %dma_wait3A_657 = arith.constant 896 : i32
    %dma_wait3A_658 = tpu.memref_slice %arg5[%dma_wait3A_657] : memref<3584xi32, #tpu.memory_space<vmem>> -> memref<128xi32, #tpu.memory_space<vmem>>
    %dma_wait3A_659 = arith.constant 0 : i32
    %dma_wait3A_660 = arith.constant 0 : i32
    %dma_wait3A_661 = tpu.memref_slice %arg3[%dma_wait3A_653, %dma_wait3A_659, %dma_wait3A_660] : memref<8x1000x128xf32, #tpu.memory_space<hbm>> -> memref<1x1000x128xf32, #tpu.memory_space<hbm>>
    %dma_wait3A_662 = tpu.memref_squeeze %dma_wait3A_661 : memref<1x1000x128xf32, #tpu.memory_space<hbm>> -> memref<1000x128xf32, #tpu.memory_space<hbm>>
    %dma_wait3A_663 = arith.constant 0 : i32
    %dma_wait3A_664 = arith.constant 0 : i32
    %dma_wait3A_665 = tpu.memref_slice %dma_wait3A_662[%dma_wait3A_663, %dma_wait3A_664] : memref<1000x128xf32, #tpu.memory_space<hbm>> -> memref<1000x128xf32, #tpu.memory_space<hbm>>
    tpu.wait_indirect_dma semaphore(%arg8 : memref<!tpu.dma_semaphore, #tpu.memory_space<semaphore_mem>>) src(%dma_wait3A_665 : memref<1000x128xf32, #tpu.memory_space<hbm>>) dst(%dma_wait3A_656 : memref<128x128xf32, #tpu.memory_space<vmem>>)
    %dma_wait3A_666 = arith.constant 2 : i32
    %dma_wait3A_667 = arith.constant 384 : i32
    %dma_wait3A_668 = arith.constant 0 : i32
    %dma_wait3A_669 = tpu.memref_slice %arg6[%dma_wait3A_667, %dma_wait3A_668] : memref<512x128xf32, #tpu.memory_space<vmem>> -> memref<128x128xf32, #tpu.memory_space<vmem>>
    %dma_wait3A_670 = arith.constant 1408 : i32
    %dma_wait3A_671 = tpu.memref_slice %arg5[%dma_wait3A_670] : memref<3584xi32, #tpu.memory_space<vmem>> -> memref<128xi32, #tpu.memory_space<vmem>>
    %dma_wait3A_672 = arith.constant 0 : i32
    %dma_wait3A_673 = arith.constant 0 : i32
    %dma_wait3A_674 = tpu.memref_slice %arg3[%dma_wait3A_666, %dma_wait3A_672, %dma_wait3A_673] : memref<8x1000x128xf32, #tpu.memory_space<hbm>> -> memref<1x1000x128xf32, #tpu.memory_space<hbm>>
    %dma_wait3A_675 = tpu.memref_squeeze %dma_wait3A_674 : memref<1x1000x128xf32, #tpu.memory_space<hbm>> -> memref<1000x128xf32, #tpu.memory_space<hbm>>
    %dma_wait3A_676 = arith.constant 0 : i32
    %dma_wait3A_677 = arith.constant 0 : i32
    %dma_wait3A_678 = tpu.memref_slice %dma_wait3A_675[%dma_wait3A_676, %dma_wait3A_677] : memref<1000x128xf32, #tpu.memory_space<hbm>> -> memref<1000x128xf32, #tpu.memory_space<hbm>>
    tpu.wait_indirect_dma semaphore(%arg8 : memref<!tpu.dma_semaphore, #tpu.memory_space<semaphore_mem>>) src(%dma_wait3A_678 : memref<1000x128xf32, #tpu.memory_space<hbm>>) dst(%dma_wait3A_669 : memref<128x128xf32, #tpu.memory_space<vmem>>)
    %dma_wait3A_679 = arith.constant 3 : i32
    %dma_wait3A_680 = arith.constant 384 : i32
    %dma_wait3A_681 = arith.constant 0 : i32
    %dma_wait3A_682 = tpu.memref_slice %arg6[%dma_wait3A_680, %dma_wait3A_681] : memref<512x128xf32, #tpu.memory_space<vmem>> -> memref<128x128xf32, #tpu.memory_space<vmem>>
    %dma_wait3A_683 = arith.constant 1920 : i32
    %dma_wait3A_684 = tpu.memref_slice %arg5[%dma_wait3A_683] : memref<3584xi32, #tpu.memory_space<vmem>> -> memref<128xi32, #tpu.memory_space<vmem>>
    %dma_wait3A_685 = arith.constant 0 : i32
    %dma_wait3A_686 = arith.constant 0 : i32
    %dma_wait3A_687 = tpu.memref_slice %arg3[%dma_wait3A_679, %dma_wait3A_685, %dma_wait3A_686] : memref<8x1000x128xf32, #tpu.memory_space<hbm>> -> memref<1x1000x128xf32, #tpu.memory_space<hbm>>
    %dma_wait3A_688 = tpu.memref_squeeze %dma_wait3A_687 : memref<1x1000x128xf32, #tpu.memory_space<hbm>> -> memref<1000x128xf32, #tpu.memory_space<hbm>>
    %dma_wait3A_689 = arith.constant 0 : i32
    %dma_wait3A_690 = arith.constant 0 : i32
    %dma_wait3A_691 = tpu.memref_slice %dma_wait3A_688[%dma_wait3A_689, %dma_wait3A_690] : memref<1000x128xf32, #tpu.memory_space<hbm>> -> memref<1000x128xf32, #tpu.memory_space<hbm>>
    tpu.wait_indirect_dma semaphore(%arg8 : memref<!tpu.dma_semaphore, #tpu.memory_space<semaphore_mem>>) src(%dma_wait3A_691 : memref<1000x128xf32, #tpu.memory_space<hbm>>) dst(%dma_wait3A_682 : memref<128x128xf32, #tpu.memory_space<vmem>>)
    %dma_wait3A_692 = arith.constant 4 : i32
    %dma_wait3A_693 = arith.constant 384 : i32
    %dma_wait3A_694 = arith.constant 0 : i32
    %dma_wait3A_695 = tpu.memref_slice %arg6[%dma_wait3A_693, %dma_wait3A_694] : memref<512x128xf32, #tpu.memory_space<vmem>> -> memref<128x128xf32, #tpu.memory_space<vmem>>
    %dma_wait3A_696 = arith.constant 2432 : i32
    %dma_wait3A_697 = tpu.memref_slice %arg5[%dma_wait3A_696] : memref<3584xi32, #tpu.memory_space<vmem>> -> memref<128xi32, #tpu.memory_space<vmem>>
    %dma_wait3A_698 = arith.constant 0 : i32
    %dma_wait3A_699 = arith.constant 0 : i32
    %dma_wait3A_700 = tpu.memref_slice %arg3[%dma_wait3A_692, %dma_wait3A_698, %dma_wait3A_699] : memref<8x1000x128xf32, #tpu.memory_space<hbm>> -> memref<1x1000x128xf32, #tpu.memory_space<hbm>>
    %dma_wait3A_701 = tpu.memref_squeeze %dma_wait3A_700 : memref<1x1000x128xf32, #tpu.memory_space<hbm>> -> memref<1000x128xf32, #tpu.memory_space<hbm>>
    %dma_wait3A_702 = arith.constant 0 : i32
    %dma_wait3A_703 = arith.constant 0 : i32
    %dma_wait3A_704 = tpu.memref_slice %dma_wait3A_701[%dma_wait3A_702, %dma_wait3A_703] : memref<1000x128xf32, #tpu.memory_space<hbm>> -> memref<1000x128xf32, #tpu.memory_space<hbm>>
    tpu.wait_indirect_dma semaphore(%arg8 : memref<!tpu.dma_semaphore, #tpu.memory_space<semaphore_mem>>) src(%dma_wait3A_704 : memref<1000x128xf32, #tpu.memory_space<hbm>>) dst(%dma_wait3A_695 : memref<128x128xf32, #tpu.memory_space<vmem>>)
    %dma_wait3A_705 = arith.constant 5 : i32
    %dma_wait3A_706 = arith.constant 384 : i32
    %dma_wait3A_707 = arith.constant 0 : i32
    %dma_wait3A_708 = tpu.memref_slice %arg6[%dma_wait3A_706, %dma_wait3A_707] : memref<512x128xf32, #tpu.memory_space<vmem>> -> memref<128x128xf32, #tpu.memory_space<vmem>>
    %dma_wait3A_709 = arith.constant 2944 : i32
    %dma_wait3A_710 = tpu.memref_slice %arg5[%dma_wait3A_709] : memref<3584xi32, #tpu.memory_space<vmem>> -> memref<128xi32, #tpu.memory_space<vmem>>
    %dma_wait3A_711 = arith.constant 0 : i32
    %dma_wait3A_712 = arith.constant 0 : i32
    %dma_wait3A_713 = tpu.memref_slice %arg3[%dma_wait3A_705, %dma_wait3A_711, %dma_wait3A_712] : memref<8x1000x128xf32, #tpu.memory_space<hbm>> -> memref<1x1000x128xf32, #tpu.memory_space<hbm>>
    %dma_wait3A_714 = tpu.memref_squeeze %dma_wait3A_713 : memref<1x1000x128xf32, #tpu.memory_space<hbm>> -> memref<1000x128xf32, #tpu.memory_space<hbm>>
    %dma_wait3A_715 = arith.constant 0 : i32
    %dma_wait3A_716 = arith.constant 0 : i32
    %dma_wait3A_717 = tpu.memref_slice %dma_wait3A_714[%dma_wait3A_715, %dma_wait3A_716] : memref<1000x128xf32, #tpu.memory_space<hbm>> -> memref<1000x128xf32, #tpu.memory_space<hbm>>
    tpu.wait_indirect_dma semaphore(%arg8 : memref<!tpu.dma_semaphore, #tpu.memory_space<semaphore_mem>>) src(%dma_wait3A_717 : memref<1000x128xf32, #tpu.memory_space<hbm>>) dst(%dma_wait3A_708 : memref<128x128xf32, #tpu.memory_space<vmem>>)
    %dma_wait3A_718 = arith.constant 6 : i32
    %dma_wait3A_719 = arith.constant 384 : i32
    %dma_wait3A_720 = arith.constant 0 : i32
    %dma_wait3A_721 = tpu.memref_slice %arg6[%dma_wait3A_719, %dma_wait3A_720] : memref<512x128xf32, #tpu.memory_space<vmem>> -> memref<128x128xf32, #tpu.memory_space<vmem>>
    %dma_wait3A_722 = arith.constant 3456 : i32
    %dma_wait3A_723 = tpu.memref_slice %arg5[%dma_wait3A_722] : memref<3584xi32, #tpu.memory_space<vmem>> -> memref<128xi32, #tpu.memory_space<vmem>>
    %dma_wait3A_724 = arith.constant 0 : i32
    %dma_wait3A_725 = arith.constant 0 : i32
    %dma_wait3A_726 = tpu.memref_slice %arg3[%dma_wait3A_718, %dma_wait3A_724, %dma_wait3A_725] : memref<8x1000x128xf32, #tpu.memory_space<hbm>> -> memref<1x1000x128xf32, #tpu.memory_space<hbm>>
    %dma_wait3A_727 = tpu.memref_squeeze %dma_wait3A_726 : memref<1x1000x128xf32, #tpu.memory_space<hbm>> -> memref<1000x128xf32, #tpu.memory_space<hbm>>
    %dma_wait3A_728 = arith.constant 0 : i32
    %dma_wait3A_729 = arith.constant 0 : i32
    %dma_wait3A_730 = tpu.memref_slice %dma_wait3A_727[%dma_wait3A_728, %dma_wait3A_729] : memref<1000x128xf32, #tpu.memory_space<hbm>> -> memref<1000x128xf32, #tpu.memory_space<hbm>>
    tpu.wait_indirect_dma semaphore(%arg8 : memref<!tpu.dma_semaphore, #tpu.memory_space<semaphore_mem>>) src(%dma_wait3A_730 : memref<1000x128xf32, #tpu.memory_space<hbm>>) dst(%dma_wait3A_721 : memref<128x128xf32, #tpu.memory_space<vmem>>)
    "tpu.region"() ({
      %run_scoped3A = tpu.sem_alloc : memref<!tpu.dma_semaphore, #tpu.memory_space<semaphore_mem>>
      %dma_start3A_731 = arith.constant 0 : i32
      %dma_start3A_732 = tpu.memref_slice %arg4[%mul3A_2, %dma_start3A_731] : memref<16384x128xf32, #tpu.memory_space<hbm>> -> memref<512x128xf32, #tpu.memory_space<hbm>>
      %dma_start3A_733 = arith.constant 0 : i32
      %dma_start3A_734 = tpu.memref_slice %arg4[%mul3A_2, %dma_start3A_733] : memref<16384x128xf32, #tpu.memory_space<hbm>> -> memref<512x128xf32, #tpu.memory_space<hbm>>
      tpu.enqueue_dma source(%arg6 : memref<512x128xf32, #tpu.memory_space<vmem>>) target(%dma_start3A_734 : memref<512x128xf32, #tpu.memory_space<hbm>>) target_semaphore(%run_scoped3A : memref<!tpu.dma_semaphore, #tpu.memory_space<semaphore_mem>>)
      %dma_wait3A_735 = arith.constant 0 : i32
      %dma_wait3A_736 = tpu.memref_slice %arg4[%mul3A_2, %dma_wait3A_735] : memref<16384x128xf32, #tpu.memory_space<hbm>> -> memref<512x128xf32, #tpu.memory_space<hbm>>
      %dma_wait3A_737 = arith.constant 0 : i32
      %dma_wait3A_738 = tpu.memref_slice %arg4[%mul3A_2, %dma_wait3A_737] : memref<16384x128xf32, #tpu.memory_space<hbm>> -> memref<512x128xf32, #tpu.memory_space<hbm>>
      tpu.wait_dma2 semaphore(%run_scoped3A : memref<!tpu.dma_semaphore, #tpu.memory_space<semaphore_mem>>) src(%arg6 : memref<512x128xf32, #tpu.memory_space<vmem>>) dst(%dma_wait3A_738 : memref<512x128xf32, #tpu.memory_space<hbm>>)
      tpu.yield
    }) : () -> ()
    return
  }
}

</mosaic_0001>

<sc_bundles>
// kernel: kernel.3.cloned.1.call-start
scs
__scs_entry_jumppad:
0x0: {  	(pc) =	sbr.rel $0x88, $3  }
0x1: {  	(tag) =	ssettag $0x0;
	lr =	simm.s32 $0x1  }
0x2: {  	[smem:$0x3F9F] =	sst lr;
	_ =	strace $0xD0000000  }
0x3: {  	_ = 	snop  }
0x4: {  	_ = 	snop  }
0x5: {  	_ = 	snop  }
0x6: {  	_ = 	snop  }
0x7: {  	_ = 	snop  }
__scs_overlays_trampoline_lowered:
0x8: {  	[smem:$0x3FAE] =	sst s0  }
0x9: {  	[smem:$0x3FAF] =	sst s1  }
0xa: {  	[smem:$0x3FB0] =	sst s2  }
0xb: {  	[smem:$0x3FB1] =	sst s3  }
0xc: {  	[smem:$0x3FB2] =	sst s4  }
0xd: {  	[smem:$0x3FB3] =	sst s5  }
0xe: {  	[smem:$0x3FB4] =	sst s6  }
0xf: {  	[smem:$0x3FB5] =	sst s7  }
0x10: {  	[smem:$0x3FB6] =	sst s8  }
0x11: {  	[smem:$0x3FB7] =	sst s9;
	s0 =	simm.s32 @!p0 $0x0  }
0x12: {  	s1 =	sld [smem:$0x3F9D];
	s0 =	simm.s32 @p0 $0x1  }
0x13: {  	[smem:$0x3FB8] =	sst s0;
	s0 =	simm.s32 @!p1 $0x0  }
0x14: {  	s2 =	sld [smem:$0x3F9C];
	s0 =	simm.s32 @p1 $0x1  }
0x15: {  	[smem:$0x3FB9] =	sst s0;
	s0 =	simm.s32 @!p2 $0x0  }
0x16: {  	s3 =	sld [smem:$0x3FDB];
	s0 =	simm.s32 @p2 $0x1  }
0x17: {  	s4 =	simm.s32 $0x1BF5;
	[smem:$0x3FBB] =	sst s0  }
0x18: {  	s0 =	sld [smem:$0x3F9E];
	_ =	swait.ge [sflag:s4], $0x0  }
0x19: {  	s7 =	sld [smem:$0x3F9F]  }
0x1a: {  	s8 =	sadd.s32 $0xFFFFE003, lr  }
0x1b: {  	s9 =	sadd.s32 $0xFFFFFEF7, lr;
	s5 =	simm.s32 $0xFFFFFFFF;
	p2 =	slt.u32 s8, $0xFFFFF086  }
0x1c: {  	p1 =	slt.u32 s9, $0xF7A;
	s5 =	simm.s32 @!p2 $0x0  }
0x1d: {  	s5 =	simm.s32 @p1 $0x1;
	p0 =	seq.s32 s7, s2  }
0x1e: {  	s7 =	smul.u32 @!p0 $0xF7A, s2;
	p2 =	seq.s32 @!p0 s5, $0x0  }
0x1f: {  	s9 =	smul.u32 $0xF7A, s1;
	s8 =	simm.s32 @!p0 $0x1BF5;
	p2 =	por !p2, p0  }
0x20: {  	[sflag:s8] =	ssyncset.s32 @!p0 $0xFFFFF086;
	s6 =	sadd.s32 @!p0 s3, s7;
	s7 =	simm.s32 @!p0 $0x108  }
0x21: {  	s3 =	sadd.s32 s3, s9;
	s6 =	sadd.s32 @!p0 $0x88, s6;
	s7 =	simm.s32 @p2 $0x1082  }
0x22: {  	[simem:s7], [sflag:s8] =	dma.local @!p0 [hbm:s6], $0xF7A  }
0x23: {  	s9 =	sor.u32 $0xD0000000, s2;
	s6 =	simm.s32 $0x108;
	_ =	swait.ge @!p0 [sflag:s8], $0x0  }
0x24: {  	s3 =	sadd.s32 $0x88, s3;
	s6 =	simm.s32 @!p1 $0x1082;
	[sflag:s4] =	ssyncset.s32 $0xFFFFF086  }
0x25: {  	[simem:s6], [sflag:s4] =	dma.local [hbm:s3], $0xF7A  }
0x26: {  	[smem:$0x3F9F] =	sst s1;
	(tag) =	ssettag s2;
	_ =	strace s9  }
0x27: {  	s1 =	sld [smem:$0x3FAF]  }
0x28: {  	s2 =	sld [smem:$0x3FB0]  }
0x29: {  	s4 =	sld [smem:$0x3FB2]  }
0x2a: {  	p0 =	seq.s32 s5, $0x0;
	s5 =	sld [smem:$0x3FB3]  }
0x2b: {  	s6 =	sld [smem:$0x3FB4]  }
0x2c: {  	s7 =	sld [smem:$0x3FB5]  }
0x2d: {  	s3 =	simm.s32 $0x108;
	s8 =	sld [smem:$0x3FB6]  }
0x2e: {  	s3 =	simm.s32 @!p0 $0x1082;
	s9 =	sld [smem:$0x3FB7]  }
0x2f: {  	lr =	sadd.s32 s0, s3;
	s0 =	sld [smem:$0x3FAE]  }
0x30: {  	s3 =	sld [smem:$0x3FB1]  }
0x31: {  	[smem:$0x3FBA] =	sst s10  }
0x32: {  	s10 =	sld [smem:$0x3FB8];
	_ =	sdelay $0x3  }
0x33: {  	p0 =	seq.s32 s10, $0x1;
	s10 =	sld [smem:$0x3FBA];
	_ =	sdelay $0x3  }
0x34: {  	[smem:$0x3FBA] =	sst s10  }
0x35: {  	s10 =	sld [smem:$0x3FB9];
	_ =	sdelay $0x3  }
0x36: {  	p1 =	seq.s32 s10, $0x1;
	s10 =	sld [smem:$0x3FBA];
	_ =	sdelay $0x3  }
0x37: {  	[smem:$0x3FBA] =	sst s10  }
0x38: {  	s10 =	sld [smem:$0x3FBB]  }
0x39: {  	_ = 	snop;
	(pc) =	sbr.ind lr, $3  }
0x3a: {  	_ = 	snop  }
0x3b: {  	_ = 	snop  }
0x3c: {  	p2 =	seq.s32 s10, $0x1;
	s10 =	sld [smem:$0x3FBA]  }
0x3d: {  	_ =	shalt  }
0x3e: {  	_ =	shalt  }
0x3f: {  	_ =	shalt  }
0x40: {  	_ =	shalt  }
0x41: {  	_ =	shalt  }
0x42: {  	_ =	shalt  }
0x43: {  	_ =	shalt  }
0x44: {  	_ =	shalt  }
0x45: {  	_ =	shalt  }
0x46: {  	_ =	shalt  }
0x47: {  	_ =	shalt  }
0x48: {  	_ =	shalt  }
0x49: {  	_ =	shalt  }
0x4a: {  	_ =	shalt  }
0x4b: {  	_ =	shalt  }
0x4c: {  	_ =	shalt  }
0x4d: {  	_ =	shalt  }
0x4e: {  	_ =	shalt  }
0x4f: {  	_ =	shalt  }
0x50: {  	_ =	shalt  }
0x51: {  	_ =	shalt  }
0x52: {  	_ =	shalt  }
0x53: {  	_ =	shalt  }
0x54: {  	_ =	shalt  }
0x55: {  	_ =	shalt  }
0x56: {  	_ =	shalt  }
0x57: {  	_ =	shalt  }
0x58: {  	_ =	shalt  }
0x59: {  	_ =	shalt  }
0x5a: {  	_ =	shalt  }
0x5b: {  	_ =	shalt  }
0x5c: {  	_ =	shalt  }
0x5d: {  	_ =	shalt  }
0x5e: {  	_ =	shalt  }
0x5f: {  	_ =	shalt  }
0x60: {  	_ =	shalt  }
0x61: {  	_ =	shalt  }
0x62: {  	_ =	shalt  }
0x63: {  	_ =	shalt  }
0x64: {  	_ =	shalt  }
0x65: {  	_ =	shalt  }
0x66: {  	_ =	shalt  }
0x67: {  	_ =	shalt  }
0x68: {  	_ =	shalt  }
0x69: {  	_ =	shalt  }
0x6a: {  	_ =	shalt  }
0x6b: {  	_ =	shalt  }
0x6c: {  	_ =	shalt  }
0x6d: {  	_ =	shalt  }
0x6e: {  	_ =	shalt  }
0x6f: {  	_ =	shalt  }
0x70: {  	_ =	shalt  }
0x71: {  	_ =	shalt  }
0x72: {  	_ =	shalt  }
0x73: {  	_ =	shalt  }
0x74: {  	_ =	shalt  }
0x75: {  	_ =	shalt  }
0x76: {  	_ =	shalt  }
0x77: {  	_ =	shalt  }
0x78: {  	_ =	shalt  }
0x79: {  	_ =	shalt  }
0x7a: {  	_ =	shalt  }
0x7b: {  	_ =	shalt  }
0x7c: {  	_ =	shalt  }
0x7d: {  	_ =	shalt  }
0x7e: {  	_ =	shalt  }
0x7f: {  	_ =	shalt  }
0x80: {  	_ =	shalt  }
0x81: {  	_ =	shalt  }
0x82: {  	_ =	shalt  }
0x83: {  	_ =	shalt  }
0x84: {  	_ =	shalt  }
0x85: {  	_ =	shalt  }
0x86: {  	_ =	shalt  }
0x87: {  	_ =	shalt  }
.Lfunc_end0:
.L_simem_size_0:
called_computation_lowered:
.L_overlay_start_0:
0x88: {  	s2 =	sld [smem:$0x3FD9]  }
0x89: {  	s3 =	sld [smem:$0x3FFE];
	_ =	sdelay $0x1  }
0x8a: {  	s1 =	srdreg.scid  }
0x8b: {  	s0 =	sand.u32 $0x1, s1  }
0x8c: {  	s17 =	sshll.u32 s0, $0xA;
	s2 =	sadd.s32 s3, s2  }
0x8d: {  	s2 =	sadd.s32 s2, s17  }
0x8e: {  	[smem:$0x3FC6] =	sst s2  }
0x8f: {  	_ = 	snop  }
0x90: {  	s2 =	sld [smem:$0x3FC8]  }
0x91: {  	s18 =	sld [smem:$0x3FD0];
	(tm) =	ssettm $0x1  }
0x92: {  	s4 =	sld [smem:$0x3FFB];
	_ =	sdelay $0x3  }
0x93: {  	_ =	strace s4  }
0x94: {  	s4 =	sld [smem:$0x3FFC];
	_ =	sdelay $0x3  }
0x95: {  	_ =	strace s4  }
0x96: {  	s4 =	sld [smem:$0x3FFD];
	_ =	sdelay $0x3  }
0x97: {  	_ =	strace s4  }
0x98: {  	_ =	strace $0x8FFFFFFF  }
0x99: {  	s19 =	sld [smem:$0x3FDB];
	_ =	sdelay $0x1  }
0x9a: {  	s5 =	simm.s32 $_scs_section_size  }
0x9b: {  	s6 =	simm.s32 $_size__tile_overlayer_lowered;
	s7 =	simm.s32 $_tile_overlayer_lowered  }
0x9c: {  	s22 =	simm.s32 $0x1BFF;
	s21 =	sshll.u32 s7, $0x1;
	s4 =	sadd.s32 s5, s19  }
0x9d: {  	s8 =	simm.s32 $0x0;
	s20 =	sshll.u32 s6, $0x1;
	s6 =	sadd.s32 s21, s4  }
0x9e: {  	[timem:s8], [sflag:s22] =	dma.local [hbm:s6], s20  }
0x9f: {  	_ =	swait.ge [sflag:s22], s20  }
0xa0: {  	s5 =	ssub.s32 $0x0, s20;
	[sflag:s22] =	ssyncset.done $0x0  }
0xa1: {  	[sflag:s22] =	ssyncadd.s32 s5;
	_ =	sdelay $0x1  }
0xa2: {  	s23 =	simm.s32 $0x1B8B  }
0xa3: {  	_ =	swait.ge [sflag:s23], $0x1  }
0xa4: {  	[sflag:s23] =	ssyncset.done $0x0  }
0xa5: {  	s25 =	simm.s32 $0x1B8E;
	s24 =	sld [smem:$0x3FFE];
	[sflag:s23] =	ssyncadd.s32 $0xFFFFFFFF  }
0xa6: {  	s26 =	simm.s32 $execute0_lowered;
	[smem:$0x3FD2] =	sst s25  }
0xa7: {  	s6 =	sshll.u32 s26, $0x1;
	_ =	strace $0x80000046;
	[dreg:$0x1] =	wrdreg $0xFFFFFFFF  }
0xa8: {  	s28 =	simm.s32 $_size_execute0_lowered;
	s4 =	sadd.s32 s4, s6;
	[dreg:$0x0] =	wrdreg $0x0  }
0xa9: {  	s6 =	sshll.u32 s28, $0x1;
	[dreg:$0x2] =	wrdreg s4  }
0xaa: {  	[dreg:$0x3] =	wrdreg s6  }
0xab: {  	[dreg:$0x4] =	wrdreg $0xC0  }
0xac: {  	_ =	task [dreg:s8], $0x5FFFF  }
0xad: {  	[dreg:$0x1] =	wrdreg $0xFFFFFFFF  }
0xae: {  	[dreg:$0x0] =	wrdreg $0x60  }
0xaf: {  	[dreg:$0x2] =	wrdreg s24  }
0xb0: {  	[dreg:$0x3] =	wrdreg s2  }
0xb1: {  	[dreg:$0x4] =	wrdreg s18  }
0xb2: {  	[dreg:$0x5] =	wrdreg $0x9  }
0xb3: {  	_ =	task.clear_ibuf [dreg:s8], $0x6FFFF;
	_ =	strace $0x90000046  }
0xb4: {  	s29 =	simm.s32 $0x9;
	_ =	strace $0x80000048  }
0xb5: {  	_ =	swait.ge [sflag:s29], $0x1  }
0xb6: {  	[sflag:s29] =	ssyncadd.s32 $0xFFFFFFFF  }
0xb7: {  	_ =	strace $0x90000048  }
0xb8: {  	_ =	sfence  }
0xb9: {  	s30 =	sld [smem:$0x0];
	_ =	sdelay $0x2  }
0xba: {  	s31 =	sshll.u32 s1, $0xD;
	s1 =	sshrl.u32 s1, $0x2  }
0xbb: {  	s3 =	sand.u32 $0x4000, s31;
	s1 =	sadd.s32 s1, s30  }
0xbc: {  	s0 =	sor.u32 s3, s0;
	s1 =	sshll.u32 s1, $0x11  }
0xbd: {  	s0 =	sor.u32 s1, s0  }
0xbe: {  	s0 =	sadd.s32 $0x8F2B, s0  }
0xbf: {  	[sflag:s0] =	ssyncadd.remote.s32 $0x1  }
0xc0: {  	_ =	sfence.sel $0xFFFF  }
0xc1: {  	[dreg:$0x0] =	wrdreg $0xFFFFFFFF;
	(pc) =	sbr.abs _section_cstart, $3  }
0xc2: {  	[dreg:$0x1] =	wrdreg $0xFFFFFFFF  }
0xc3: {  	_ =	task.clear_ibuf [dreg:s8], $0x2FFFF;
	_ =	strace $0x9FFFFFFF  }
0xc4: {  	(tm) =	ssettm $0x7FFFFFFF  }
0xc5: {  	_ =	shalt  }
tec
execute0_lowered:
.L_overlay_start_1:
0x0: {  	(tag) =	ssettag $0x1  }
0x1: {  	s0 =	rddreg [dreg:$0x0];
	s1 =	srdreg.scid  }
0x2: {  	s2 =	stileid.u32;
	s13 =	rddreg [dreg:$0x1]  }
0x3: {  	s3 =	rddreg [dreg:$0x2];
	s14 =	simm.s32 $0x100;
	s15 =	simm.s32 $0x180  }
0x4: {  	s16 =	simm.s32 $0x200;
	s17 =	simm.s32 $0x400;
	s18 =	simm.s32 $0x600  }
0x5: {  	s19 =	simm.s32 $0x800;
	s20 =	simm.s32 $0xA00;
	s21 =	simm.s32 $0xC00  }
0x6: {  	s22 =	simm.s32 $0x280;
	s1 =	sand.u32 $0x1, s1;
	s2 =	sshll.u32 s2, $0x1  }
0x7: {  	s23 =	simm.s32 $0x480;
	s4 =	sor.u32 s1, s2;
	s2 =	simm.s32 $0x0  }
0x8: {  	s24 =	simm.s32 $0x680;
	s25 =	simm.s32 $0x880;
	[smem:$0x7FF] =	sst s2  }
0x9: {  	s26 =	simm.s32 $0xA80;
	_ =	strace $0x80000047;
	[dreg:$0x6] =	wrdreg s14  }
0xa: {  	p0 =	por $0x0, $0x0;
	s28 =	simm.s32 $0x780;
	[dreg:$0x7] =	wrdreg s15  }
0xb: {  	s29 =	simm.s32 $0x980;
	s30 =	simm.s32 $0xB80;
	[dreg:$0x8] =	wrdreg s16  }
0xc: {  	s31 =	simm.s32 $0xD80;
	s6 =	sadd.s32 $0x3E80, s13;
	[dreg:$0x9] =	wrdreg s17  }
0xd: {  	s7 =	sadd.s32 $0x7D00, s13;
	s8 =	sadd.s32 $0xBB80, s13;
	[dreg:$0xa] =	wrdreg s18  }
0xe: {  	s9 =	sadd.s32 $0xFA00, s13;
	s10 =	sadd.s32 $0x13880, s13;
	[dreg:$0xb] =	wrdreg s19  }
0xf: {  	s1 =	ssub.s32 $0x2, s1;
	s5 =	smul.u32 $0x1C0, s4;
	[dreg:$0xc] =	wrdreg s20  }
0x10: {  	s4 =	sshll.u32 s4, $0xD;
	s11 =	sshrl.u32 s1, $0x1;
	[dreg:$0xd] =	wrdreg s21  }
0x11: {  	s12 =	sadd.s32 s3, s4;
	s1 =	ssub.s32 s1, s11;
	[dreg:$0xe] =	wrdreg s22  }
0x12: {  	s11 =	sadd.s32 $0x17700, s13;
	s3 =	simm.s32 $0x3;
	[dreg:$0xf] =	wrdreg s23  }
0x13: {  	s4 =	simm.s32 $0xE00;
	s17 =	simm.s32 $0x4E00;
	[dreg:$0x10] =	wrdreg s24  }
0x14: {  	s15 =	simm.s32 $0x8E00;
	[dreg:$0x11] =	wrdreg s25;
	s14 =	simm.s32 $0xCE00  }
0x15: {  	s16 =	simm.s32 $0x1;
	[dreg:$0x12] =	wrdreg s26;
	s1 =	smax.u32 s1, $0x1  }
0x16: {  	s20 =	simm.s32 $0xC80;
	s21 =	simm.s32 $0x500;
	p1 =	sne.s32 s1, $0x1  }
.Ltmp0:
0x17: {  	s22 =	simm.s32 $0x700;
	s23 =	simm.s32 $0x900;
	(pc) =	sbr.rel @!p1 .LBB2_1-.Ltmp0, $4  }
0x18: {  	s24 =	simm.s32 $0xB00;
	s25 =	simm.s32 $0xD00;
	s0 =	sadd.s32 s5, s0  }
0x19: {  	s19 =	simm.s32 $0x380;
	[dreg:$0x5] =	wrdreg s12;
	s0 =	sadd.s32 $0x400, s0  }
0x1a: {  	s26 =	simm.s32 $0x580;
	s12 =	simm.s32 $0x80;
	[dreg:$0x4] =	wrdreg s0  }
0x1b: {  	s5 =	simm.s32 $0x2;
	s18 =	sadd.s32 $0xFFFFFFFF, s1;
	s0 =	rddreg [dreg:$0x4]  }
0x1c: {  	[tilespmem:s2], [sflag:$0x3] =	stream.linear.gather [hbm4b:s0+s2], $0xE00, $0x38;
	[tilespmem:$0x10E00] =	vst v63  }
0x1d: {  	_ =	swait.ge [sflag:s3], $0xE00  }
0x1e: {  	[sflag:s3] =	ssyncset.done $0x0  }
0x1f: {  	[sflag:s3] =	ssyncadd.s32 $0xFFFFF200  }
0x20: {  	[tilespmem:s4], [sflag:$0x1] =	stream.indirect.gather [hbm4b:s13+s12], $0x80, s2, s12, $0xb8;
	[tilespmem:$0x10E00] =	vst v63  }
0x21: {  	_ = 	snop  }
0x22: {  	[tilespmem:s17], [sflag:$0x1] =	stream.indirect.gather [hbm4b:s13+s12], $0x80, s12, s12, $0xb8;
	[tilespmem:$0x10E00] =	vst v63  }
0x23: {  	s0 =	rddreg [dreg:$0x6]  }
0x24: {  	[tilespmem:s15], [sflag:$0x1] =	stream.indirect.gather [hbm4b:s13+s12], $0x80, s0, s12, $0xb8;
	[tilespmem:$0x10E00] =	vst v63  }
0x25: {  	s1 =	rddreg [dreg:$0x7]  }
0x26: {  	[tilespmem:s14], [sflag:$0x1] =	stream.indirect.gather [hbm4b:s13+s12], $0x80, s1, s12, $0xb8;
	[tilespmem:$0x10E00] =	vst v63  }
0x27: {  	_ =	swait.ge [sflag:s16], $0x4000  }
0x28: {  	[sflag:s16] =	ssyncset.done $0x0  }
0x29: {  	s0 =	rddreg [dreg:$0x8];
	[sflag:s16] =	ssyncadd.s32 $0xFFFFC000  }
0x2a: {  	[tilespmem:s4], [sflag:$0x2] =	stream.indirect.gather.add.f32 [hbm:s6], $0x80, s0, s12, $0xb8;
	[tilespmem:$0x10E00] =	vst v63  }
0x2b: {  	s1 =	rddreg [dreg:$0x9]  }
0x2c: {  	[tilespmem:s4], [sflag:$0x2] =	stream.indirect.gather.add.f32 [hbm:s7], $0x80, s1, s12, $0xb8;
	[tilespmem:$0x10E00] =	vst v63  }
0x2d: {  	s0 =	rddreg [dreg:$0xa]  }
0x2e: {  	[tilespmem:s4], [sflag:$0x2] =	stream.indirect.gather.add.f32 [hbm:s8], $0x80, s0, s12, $0xb8;
	[tilespmem:$0x10E00] =	vst v63  }
0x2f: {  	s1 =	rddreg [dreg:$0xb]  }
0x30: {  	[tilespmem:s4], [sflag:$0x2] =	stream.indirect.gather.add.f32 [hbm:s9], $0x80, s1, s12, $0xb8;
	[tilespmem:$0x10E00] =	vst v63  }
0x31: {  	s0 =	rddreg [dreg:$0xc]  }
0x32: {  	[tilespmem:s4], [sflag:$0x2] =	stream.indirect.gather.add.f32 [hbm:s10], $0x80, s0, s12, $0xb8;
	[tilespmem:$0x10E00] =	vst v63  }
0x33: {  	s1 =	rddreg [dreg:$0xd]  }
0x34: {  	[tilespmem:s4], [sflag:$0x2] =	stream.indirect.gather.add.f32 [hbm:s11], $0x80, s1, s12, $0xb8;
	[tilespmem:$0x10E00] =	vst v63  }
0x35: {  	_ =	swait.ge [sflag:s16], $0x4000  }
0x36: {  	[sflag:s16] =	ssyncset.done $0x0  }
0x37: {  	s0 =	rddreg [dreg:$0xe];
	[sflag:s16] =	ssyncadd.s32 $0xFFFFC000  }
0x38: {  	[tilespmem:s17], [sflag:$0x2] =	stream.indirect.gather.add.f32 [hbm:s6], $0x80, s0, s12, $0xb8;
	[tilespmem:$0x10E00] =	vst v63  }
0x39: {  	s1 =	rddreg [dreg:$0xf]  }
0x3a: {  	[tilespmem:s17], [sflag:$0x2] =	stream.indirect.gather.add.f32 [hbm:s7], $0x80, s1, s12, $0xb8;
	[tilespmem:$0x10E00] =	vst v63  }
0x3b: {  	s0 =	rddreg [dreg:$0x10]  }
0x3c: {  	[tilespmem:s17], [sflag:$0x2] =	stream.indirect.gather.add.f32 [hbm:s8], $0x80, s0, s12, $0xb8;
	[tilespmem:$0x10E00] =	vst v63  }
0x3d: {  	s1 =	rddreg [dreg:$0x11]  }
0x3e: {  	[tilespmem:s17], [sflag:$0x2] =	stream.indirect.gather.add.f32 [hbm:s9], $0x80, s1, s12, $0xb8;
	[tilespmem:$0x10E00] =	vst v63  }
0x3f: {  	s0 =	rddreg [dreg:$0x12]  }
0x40: {  	[tilespmem:s17], [sflag:$0x2] =	stream.indirect.gather.add.f32 [hbm:s10], $0x80, s0, s12, $0xb8;
	[tilespmem:$0x10E00] =	vst v63  }
0x41: {  	_ = 	snop  }
0x42: {  	[tilespmem:s17], [sflag:$0x2] =	stream.indirect.gather.add.f32 [hbm:s11], $0x80, s20, s12, $0xb8;
	[tilespmem:$0x10E00] =	vst v63  }
0x43: {  	_ =	swait.ge [sflag:s16], $0x4000  }
0x44: {  	[sflag:s16] =	ssyncset.done $0x0  }
0x45: {  	s1 =	simm.s32 $0x300;
	[sflag:s16] =	ssyncadd.s32 $0xFFFFC000  }
0x46: {  	[tilespmem:s15], [sflag:$0x2] =	stream.indirect.gather.add.f32 [hbm:s6], $0x80, s1, s12, $0xb8;
	[tilespmem:$0x10E00] =	vst v63  }
0x47: {  	_ = 	snop  }
0x48: {  	[tilespmem:s15], [sflag:$0x2] =	stream.indirect.gather.add.f32 [hbm:s7], $0x80, s21, s12, $0xb8;
	[tilespmem:$0x10E00] =	vst v63  }
0x49: {  	_ = 	snop  }
0x4a: {  	[tilespmem:s15], [sflag:$0x2] =	stream.indirect.gather.add.f32 [hbm:s8], $0x80, s22, s12, $0xb8;
	[tilespmem:$0x10E00] =	vst v63  }
0x4b: {  	_ = 	snop  }
0x4c: {  	[tilespmem:s15], [sflag:$0x2] =	stream.indirect.gather.add.f32 [hbm:s9], $0x80, s23, s12, $0xb8;
	[tilespmem:$0x10E00] =	vst v63  }
0x4d: {  	_ = 	snop  }
0x4e: {  	[tilespmem:s15], [sflag:$0x2] =	stream.indirect.gather.add.f32 [hbm:s10], $0x80, s24, s12, $0xb8;
	[tilespmem:$0x10E00] =	vst v63  }
0x4f: {  	_ = 	snop  }
0x50: {  	[tilespmem:s15], [sflag:$0x2] =	stream.indirect.gather.add.f32 [hbm:s11], $0x80, s25, s12, $0xb8;
	[tilespmem:$0x10E00] =	vst v63  }
0x51: {  	_ =	swait.ge [sflag:s16], $0x4000  }
0x52: {  	[sflag:s16] =	ssyncset.done $0x0  }
0x53: {  	[sflag:s16] =	ssyncadd.s32 $0xFFFFC000  }
0x54: {  	[tilespmem:s14], [sflag:$0x2] =	stream.indirect.gather.add.f32 [hbm:s6], $0x80, s19, s12, $0xb8;
	[tilespmem:$0x10E00] =	vst v63  }
0x55: {  	_ = 	snop  }
0x56: {  	[tilespmem:s14], [sflag:$0x2] =	stream.indirect.gather.add.f32 [hbm:s7], $0x80, s26, s12, $0xb8;
	[tilespmem:$0x10E00] =	vst v63  }
0x57: {  	_ = 	snop  }
0x58: {  	[tilespmem:s14], [sflag:$0x2] =	stream.indirect.gather.add.f32 [hbm:s8], $0x80, s28, s12, $0xb8;
	[tilespmem:$0x10E00] =	vst v63  }
0x59: {  	_ = 	snop  }
0x5a: {  	[tilespmem:s14], [sflag:$0x2] =	stream.indirect.gather.add.f32 [hbm:s9], $0x80, s29, s12, $0xb8;
	[tilespmem:$0x10E00] =	vst v63  }
0x5b: {  	_ = 	snop  }
0x5c: {  	[tilespmem:s14], [sflag:$0x2] =	stream.indirect.gather.add.f32 [hbm:s10], $0x80, s30, s12, $0xb8;
	[tilespmem:$0x10E00] =	vst v63  }
0x5d: {  	_ = 	snop  }
0x5e: {  	[tilespmem:s14], [sflag:$0x2] =	stream.indirect.gather.add.f32 [hbm:s11], $0x80, s31, s12, $0xb8;
	[tilespmem:$0x10E00] =	vst v63  }
0x5f: {  	_ =	swait.ge [sflag:s5], $0x4000  }
0x60: {  	[sflag:s5] =	ssyncset.done $0x0  }
0x61: {  	[sflag:s5] =	ssyncadd.s32 $0xFFFFC000  }
0x62: {  	_ =	swait.ge [sflag:s5], $0x4000  }
0x63: {  	[sflag:s5] =	ssyncset.done $0x0  }
0x64: {  	[sflag:s5] =	ssyncadd.s32 $0xFFFFC000  }
0x65: {  	_ =	swait.ge [sflag:s5], $0x4000  }
0x66: {  	[sflag:s5] =	ssyncset.done $0x0  }
0x67: {  	[sflag:s5] =	ssyncadd.s32 $0xFFFFC000  }
0x68: {  	_ =	swait.ge [sflag:s5], $0x4000  }
0x69: {  	[sflag:s5] =	ssyncset.done $0x0  }
0x6a: {  	[sflag:s5] =	ssyncadd.s32 $0xFFFFC000  }
0x6b: {  	_ =	swait.ge [sflag:s5], $0x4000  }
0x6c: {  	[sflag:s5] =	ssyncset.done $0x0  }
0x6d: {  	[sflag:s5] =	ssyncadd.s32 $0xFFFFC000  }
0x6e: {  	_ =	swait.ge [sflag:s5], $0x4000  }
0x6f: {  	[sflag:s5] =	ssyncset.done $0x0  }
0x70: {  	[sflag:s5] =	ssyncadd.s32 $0xFFFFC000  }
0x71: {  	_ =	swait.ge [sflag:s5], $0x4000  }
0x72: {  	[sflag:s5] =	ssyncset.done $0x0  }
0x73: {  	[sflag:s5] =	ssyncadd.s32 $0xFFFFC000  }
0x74: {  	_ =	swait.ge [sflag:s5], $0x4000  }
0x75: {  	[sflag:s5] =	ssyncset.done $0x0  }
0x76: {  	[sflag:s5] =	ssyncadd.s32 $0xFFFFC000  }
0x77: {  	_ =	swait.ge [sflag:s5], $0x4000  }
0x78: {  	[sflag:s5] =	ssyncset.done $0x0  }
0x79: {  	[sflag:s5] =	ssyncadd.s32 $0xFFFFC000  }
0x7a: {  	_ =	swait.ge [sflag:s5], $0x4000  }
0x7b: {  	[sflag:s5] =	ssyncset.done $0x0  }
0x7c: {  	[sflag:s5] =	ssyncadd.s32 $0xFFFFC000  }
0x7d: {  	_ =	swait.ge [sflag:s5], $0x4000  }
0x7e: {  	[sflag:s5] =	ssyncset.done $0x0  }
0x7f: {  	[sflag:s5] =	ssyncadd.s32 $0xFFFFC000  }
0x80: {  	_ =	swait.ge [sflag:s5], $0x4000  }
0x81: {  	[sflag:s5] =	ssyncset.done $0x0  }
0x82: {  	[sflag:s5] =	ssyncadd.s32 $0xFFFFC000  }
0x83: {  	_ =	swait.ge [sflag:s5], $0x4000  }
0x84: {  	[sflag:s5] =	ssyncset.done $0x0  }
0x85: {  	[sflag:s5] =	ssyncadd.s32 $0xFFFFC000  }
0x86: {  	_ =	swait.ge [sflag:s5], $0x4000  }
0x87: {  	[sflag:s5] =	ssyncset.done $0x0  }
0x88: {  	[sflag:s5] =	ssyncadd.s32 $0xFFFFC000  }
0x89: {  	_ =	swait.ge [sflag:s5], $0x4000  }
0x8a: {  	[sflag:s5] =	ssyncset.done $0x0  }
0x8b: {  	[sflag:s5] =	ssyncadd.s32 $0xFFFFC000  }
0x8c: {  	_ =	swait.ge [sflag:s5], $0x4000  }
0x8d: {  	[sflag:s5] =	ssyncset.done $0x0  }
0x8e: {  	[sflag:s5] =	ssyncadd.s32 $0xFFFFC000  }
0x8f: {  	_ =	swait.ge [sflag:s5], $0x4000  }
0x90: {  	[sflag:s5] =	ssyncset.done $0x0  }
0x91: {  	[sflag:s5] =	ssyncadd.s32 $0xFFFFC000  }
0x92: {  	_ =	swait.ge [sflag:s5], $0x4000  }
0x93: {  	[sflag:s5] =	ssyncset.done $0x0  }
0x94: {  	[sflag:s5] =	ssyncadd.s32 $0xFFFFC000  }
0x95: {  	_ =	swait.ge [sflag:s5], $0x4000  }
0x96: {  	[sflag:s5] =	ssyncset.done $0x0  }
0x97: {  	[sflag:s5] =	ssyncadd.s32 $0xFFFFC000  }
0x98: {  	_ =	swait.ge [sflag:s5], $0x4000  }
0x99: {  	[sflag:s5] =	ssyncset.done $0x0  }
0x9a: {  	[sflag:s5] =	ssyncadd.s32 $0xFFFFC000  }
0x9b: {  	_ =	swait.ge [sflag:s5], $0x4000  }
0x9c: {  	[sflag:s5] =	ssyncset.done $0x0  }
0x9d: {  	[sflag:s5] =	ssyncadd.s32 $0xFFFFC000  }
0x9e: {  	_ =	swait.ge [sflag:s5], $0x4000  }
0x9f: {  	[sflag:s5] =	ssyncset.done $0x0  }
0xa0: {  	[sflag:s5] =	ssyncadd.s32 $0xFFFFC000  }
0xa1: {  	_ =	swait.ge [sflag:s5], $0x4000  }
0xa2: {  	[sflag:s5] =	ssyncset.done $0x0  }
0xa3: {  	[sflag:s5] =	ssyncadd.s32 $0xFFFFC000  }
0xa4: {  	p1 =	sne.s32 s18, $0x1;
	_ =	swait.ge [sflag:s5], $0x4000  }
.Ltmp1:
0xa5: {  	[sflag:s5] =	ssyncset.done $0x0;
	(pc) =	sbr.rel @!p1 .LBB2_3-.Ltmp1, $4  }
0xa6: {  	s1 =	rddreg [dreg:$0x5];
	[sflag:s5] =	ssyncadd.s32 $0xFFFFC000  }
0xa7: {  	[hbm4b:s1+s2] =	stream.linear.scatter [tilespmem:s4], [sflag:$0x3], $0x10000, $0x38;
	[tilespmem:$0x10E00] =	vst v63  }
0xa8: {  	p0 =	por $0x1, $0x1;
	_ =	swait.ge [sflag:s3], $0x10000  }
0xa9: {  	s1 =	sadd.s32 $0xFFFFFFFF, s18;
	s0 =	rddreg [dreg:$0x4];
	[sflag:s3] =	ssyncset.done $0x0  }
.LBB2_4:
0xaa: {  	[sflag:s3] =	ssyncadd.s32 $0xFFFF0000  }
0xab: {  	[tilespmem:s2], [sflag:$0x3] =	stream.linear.gather [hbm4b:s0+s2], $0xE00, $0x38;
	[tilespmem:$0x10E00] =	vst v63  }
0xac: {  	_ =	swait.ge [sflag:s3], $0xE00  }
0xad: {  	[sflag:s3] =	ssyncset.done $0x0  }
0xae: {  	[sflag:s3] =	ssyncadd.s32 $0xFFFFF200  }
0xaf: {  	[tilespmem:s4], [sflag:$0x1] =	stream.indirect.gather [hbm4b:s13+s12], $0x80, s2, s12, $0xb8;
	[tilespmem:$0x10E00] =	vst v63  }
0xb0: {  	_ = 	snop  }
0xb1: {  	[tilespmem:s17], [sflag:$0x1] =	stream.indirect.gather [hbm4b:s13+s12], $0x80, s12, s12, $0xb8;
	[tilespmem:$0x10E00] =	vst v63  }
0xb2: {  	s0 =	rddreg [dreg:$0x6]  }
0xb3: {  	[tilespmem:s15], [sflag:$0x1] =	stream.indirect.gather [hbm4b:s13+s12], $0x80, s0, s12, $0xb8;
	[tilespmem:$0x10E00] =	vst v63  }
0xb4: {  	s18 =	rddreg [dreg:$0x7]  }
0xb5: {  	[tilespmem:s14], [sflag:$0x1] =	stream.indirect.gather [hbm4b:s13+s12], $0x80, s18, s12, $0xb8;
	[tilespmem:$0x10E00] =	vst v63  }
0xb6: {  	_ =	swait.ge [sflag:s16], $0x4000  }
0xb7: {  	[sflag:s16] =	ssyncset.done $0x0  }
0xb8: {  	s0 =	rddreg [dreg:$0x8];
	[sflag:s16] =	ssyncadd.s32 $0xFFFFC000  }
0xb9: {  	[tilespmem:s4], [sflag:$0x2] =	stream.indirect.gather.add.f32 [hbm:s6], $0x80, s0, s12, $0xb8;
	[tilespmem:$0x10E00] =	vst v63  }
0xba: {  	s18 =	rddreg [dreg:$0x9]  }
0xbb: {  	[tilespmem:s4], [sflag:$0x2] =	stream.indirect.gather.add.f32 [hbm:s7], $0x80, s18, s12, $0xb8;
	[tilespmem:$0x10E00] =	vst v63  }
0xbc: {  	s0 =	rddreg [dreg:$0xa]  }
0xbd: {  	[tilespmem:s4], [sflag:$0x2] =	stream.indirect.gather.add.f32 [hbm:s8], $0x80, s0, s12, $0xb8;
	[tilespmem:$0x10E00] =	vst v63  }
0xbe: {  	s18 =	rddreg [dreg:$0xb]  }
0xbf: {  	[tilespmem:s4], [sflag:$0x2] =	stream.indirect.gather.add.f32 [hbm:s9], $0x80, s18, s12, $0xb8;
	[tilespmem:$0x10E00] =	vst v63  }
0xc0: {  	s0 =	rddreg [dreg:$0xc]  }
0xc1: {  	[tilespmem:s4], [sflag:$0x2] =	stream.indirect.gather.add.f32 [hbm:s10], $0x80, s0, s12, $0xb8;
	[tilespmem:$0x10E00] =	vst v63  }
0xc2: {  	s18 =	rddreg [dreg:$0xd]  }
0xc3: {  	[tilespmem:s4], [sflag:$0x2] =	stream.indirect.gather.add.f32 [hbm:s11], $0x80, s18, s12, $0xb8;
	[tilespmem:$0x10E00] =	vst v63  }
0xc4: {  	_ =	swait.ge [sflag:s16], $0x4000  }
0xc5: {  	[sflag:s16] =	ssyncset.done $0x0  }
0xc6: {  	s0 =	rddreg [dreg:$0xe];
	[sflag:s16] =	ssyncadd.s32 $0xFFFFC000  }
0xc7: {  	[tilespmem:s17], [sflag:$0x2] =	stream.indirect.gather.add.f32 [hbm:s6], $0x80, s0, s12, $0xb8;
	[tilespmem:$0x10E00] =	vst v63  }
0xc8: {  	s18 =	rddreg [dreg:$0xf]  }
0xc9: {  	[tilespmem:s17], [sflag:$0x2] =	stream.indirect.gather.add.f32 [hbm:s7], $0x80, s18, s12, $0xb8;
	[tilespmem:$0x10E00] =	vst v63  }
0xca: {  	s0 =	rddreg [dreg:$0x10]  }
0xcb: {  	[tilespmem:s17], [sflag:$0x2] =	stream.indirect.gather.add.f32 [hbm:s8], $0x80, s0, s12, $0xb8;
	[tilespmem:$0x10E00] =	vst v63  }
0xcc: {  	s18 =	rddreg [dreg:$0x11]  }
0xcd: {  	[tilespmem:s17], [sflag:$0x2] =	stream.indirect.gather.add.f32 [hbm:s9], $0x80, s18, s12, $0xb8;
	[tilespmem:$0x10E00] =	vst v63  }
0xce: {  	s0 =	rddreg [dreg:$0x12]  }
0xcf: {  	[tilespmem:s17], [sflag:$0x2] =	stream.indirect.gather.add.f32 [hbm:s10], $0x80, s0, s12, $0xb8;
	[tilespmem:$0x10E00] =	vst v63  }
0xd0: {  	_ = 	snop  }
0xd1: {  	[tilespmem:s17], [sflag:$0x2] =	stream.indirect.gather.add.f32 [hbm:s11], $0x80, s20, s12, $0xb8;
	[tilespmem:$0x10E00] =	vst v63  }
0xd2: {  	_ =	swait.ge [sflag:s16], $0x4000  }
0xd3: {  	[sflag:s16] =	ssyncset.done $0x0  }
0xd4: {  	s18 =	simm.s32 $0x300;
	[sflag:s16] =	ssyncadd.s32 $0xFFFFC000  }
0xd5: {  	[tilespmem:s15], [sflag:$0x2] =	stream.indirect.gather.add.f32 [hbm:s6], $0x80, s18, s12, $0xb8;
	[tilespmem:$0x10E00] =	vst v63  }
0xd6: {  	_ = 	snop  }
0xd7: {  	[tilespmem:s15], [sflag:$0x2] =	stream.indirect.gather.add.f32 [hbm:s7], $0x80, s21, s12, $0xb8;
	[tilespmem:$0x10E00] =	vst v63  }
0xd8: {  	_ = 	snop  }
0xd9: {  	[tilespmem:s15], [sflag:$0x2] =	stream.indirect.gather.add.f32 [hbm:s8], $0x80, s22, s12, $0xb8;
	[tilespmem:$0x10E00] =	vst v63  }
0xda: {  	_ = 	snop  }
0xdb: {  	[tilespmem:s15], [sflag:$0x2] =	stream.indirect.gather.add.f32 [hbm:s9], $0x80, s23, s12, $0xb8;
	[tilespmem:$0x10E00] =	vst v63  }
0xdc: {  	_ = 	snop  }
0xdd: {  	[tilespmem:s15], [sflag:$0x2] =	stream.indirect.gather.add.f32 [hbm:s10], $0x80, s24, s12, $0xb8;
	[tilespmem:$0x10E00] =	vst v63  }
0xde: {  	_ = 	snop  }
0xdf: {  	[tilespmem:s15], [sflag:$0x2] =	stream.indirect.gather.add.f32 [hbm:s11], $0x80, s25, s12, $0xb8;
	[tilespmem:$0x10E00] =	vst v63  }
0xe0: {  	_ =	swait.ge [sflag:s16], $0x4000  }
0xe1: {  	[sflag:s16] =	ssyncset.done $0x0  }
0xe2: {  	[sflag:s16] =	ssyncadd.s32 $0xFFFFC000  }
0xe3: {  	[tilespmem:s14], [sflag:$0x2] =	stream.indirect.gather.add.f32 [hbm:s6], $0x80, s19, s12, $0xb8;
	[tilespmem:$0x10E00] =	vst v63  }
0xe4: {  	_ = 	snop  }
0xe5: {  	[tilespmem:s14], [sflag:$0x2] =	stream.indirect.gather.add.f32 [hbm:s7], $0x80, s26, s12, $0xb8;
	[tilespmem:$0x10E00] =	vst v63  }
0xe6: {  	_ = 	snop  }
0xe7: {  	[tilespmem:s14], [sflag:$0x2] =	stream.indirect.gather.add.f32 [hbm:s8], $0x80, s28, s12, $0xb8;
	[tilespmem:$0x10E00] =	vst v63  }
0xe8: {  	_ = 	snop  }
0xe9: {  	[tilespmem:s14], [sflag:$0x2] =	stream.indirect.gather.add.f32 [hbm:s9], $0x80, s29, s12, $0xb8;
	[tilespmem:$0x10E00] =	vst v63  }
0xea: {  	_ = 	snop  }
0xeb: {  	[tilespmem:s14], [sflag:$0x2] =	stream.indirect.gather.add.f32 [hbm:s10], $0x80, s30, s12, $0xb8;
	[tilespmem:$0x10E00] =	vst v63  }
0xec: {  	_ = 	snop  }
0xed: {  	[tilespmem:s14], [sflag:$0x2] =	stream.indirect.gather.add.f32 [hbm:s11], $0x80, s31, s12, $0xb8;
	[tilespmem:$0x10E00] =	vst v63  }
0xee: {  	_ =	swait.ge [sflag:s5], $0x4000  }
0xef: {  	[sflag:s5] =	ssyncset.done $0x0  }
0xf0: {  	[sflag:s5] =	ssyncadd.s32 $0xFFFFC000  }
0xf1: {  	_ =	swait.ge [sflag:s5], $0x4000  }
0xf2: {  	[sflag:s5] =	ssyncset.done $0x0  }
0xf3: {  	[sflag:s5] =	ssyncadd.s32 $0xFFFFC000  }
0xf4: {  	_ =	swait.ge [sflag:s5], $0x4000  }
0xf5: {  	[sflag:s5] =	ssyncset.done $0x0  }
0xf6: {  	[sflag:s5] =	ssyncadd.s32 $0xFFFFC000  }
0xf7: {  	_ =	swait.ge [sflag:s5], $0x4000  }
0xf8: {  	[sflag:s5] =	ssyncset.done $0x0  }
0xf9: {  	[sflag:s5] =	ssyncadd.s32 $0xFFFFC000  }
0xfa: {  	_ =	swait.ge [sflag:s5], $0x4000  }
0xfb: {  	[sflag:s5] =	ssyncset.done $0x0  }
0xfc: {  	[sflag:s5] =	ssyncadd.s32 $0xFFFFC000  }
0xfd: {  	_ =	swait.ge [sflag:s5], $0x4000  }
0xfe: {  	[sflag:s5] =	ssyncset.done $0x0  }
0xff: {  	[sflag:s5] =	ssyncadd.s32 $0xFFFFC000  }
0x100: {  	_ =	swait.ge [sflag:s5], $0x4000  }
0x101: {  	[sflag:s5] =	ssyncset.done $0x0  }
0x102: {  	[sflag:s5] =	ssyncadd.s32 $0xFFFFC000  }
0x103: {  	_ =	swait.ge [sflag:s5], $0x4000  }
0x104: {  	[sflag:s5] =	ssyncset.done $0x0  }
0x105: {  	[sflag:s5] =	ssyncadd.s32 $0xFFFFC000  }
0x106: {  	_ =	swait.ge [sflag:s5], $0x4000  }
0x107: {  	[sflag:s5] =	ssyncset.done $0x0  }
0x108: {  	[sflag:s5] =	ssyncadd.s32 $0xFFFFC000  }
0x109: {  	_ =	swait.ge [sflag:s5], $0x4000  }
0x10a: {  	[sflag:s5] =	ssyncset.done $0x0  }
0x10b: {  	[sflag:s5] =	ssyncadd.s32 $0xFFFFC000  }
0x10c: {  	_ =	swait.ge [sflag:s5], $0x4000  }
0x10d: {  	[sflag:s5] =	ssyncset.done $0x0  }
0x10e: {  	[sflag:s5] =	ssyncadd.s32 $0xFFFFC000  }
0x10f: {  	_ =	swait.ge [sflag:s5], $0x4000  }
0x110: {  	[sflag:s5] =	ssyncset.done $0x0  }
0x111: {  	[sflag:s5] =	ssyncadd.s32 $0xFFFFC000  }
0x112: {  	_ =	swait.ge [sflag:s5], $0x4000  }
0x113: {  	[sflag:s5] =	ssyncset.done $0x0  }
0x114: {  	[sflag:s5] =	ssyncadd.s32 $0xFFFFC000  }
0x115: {  	_ =	swait.ge [sflag:s5], $0x4000  }
0x116: {  	[sflag:s5] =	ssyncset.done $0x0  }
0x117: {  	[sflag:s5] =	ssyncadd.s32 $0xFFFFC000  }
0x118: {  	_ =	swait.ge [sflag:s5], $0x4000  }
0x119: {  	[sflag:s5] =	ssyncset.done $0x0  }
0x11a: {  	[sflag:s5] =	ssyncadd.s32 $0xFFFFC000  }
0x11b: {  	_ =	swait.ge [sflag:s5], $0x4000  }
0x11c: {  	[sflag:s5] =	ssyncset.done $0x0  }
0x11d: {  	[sflag:s5] =	ssyncadd.s32 $0xFFFFC000  }
0x11e: {  	_ =	swait.ge [sflag:s5], $0x4000  }
0x11f: {  	[sflag:s5] =	ssyncset.done $0x0  }
0x120: {  	[sflag:s5] =	ssyncadd.s32 $0xFFFFC000  }
0x121: {  	_ =	swait.ge [sflag:s5], $0x4000  }
0x122: {  	[sflag:s5] =	ssyncset.done $0x0  }
0x123: {  	[sflag:s5] =	ssyncadd.s32 $0xFFFFC000  }
0x124: {  	_ =	swait.ge [sflag:s5], $0x4000  }
0x125: {  	[sflag:s5] =	ssyncset.done $0x0  }
0x126: {  	[sflag:s5] =	ssyncadd.s32 $0xFFFFC000  }
0x127: {  	_ =	swait.ge [sflag:s5], $0x4000  }
0x128: {  	[sflag:s5] =	ssyncset.done $0x0  }
0x129: {  	[sflag:s5] =	ssyncadd.s32 $0xFFFFC000  }
0x12a: {  	_ =	swait.ge [sflag:s5], $0x4000  }
0x12b: {  	[sflag:s5] =	ssyncset.done $0x0  }
0x12c: {  	[sflag:s5] =	ssyncadd.s32 $0xFFFFC000  }
0x12d: {  	_ =	swait.ge [sflag:s5], $0x4000  }
0x12e: {  	[sflag:s5] =	ssyncset.done $0x0  }
0x12f: {  	[sflag:s5] =	ssyncadd.s32 $0xFFFFC000  }
0x130: {  	_ =	swait.ge [sflag:s5], $0x4000  }
0x131: {  	[sflag:s5] =	ssyncset.done $0x0  }
0x132: {  	[sflag:s5] =	ssyncadd.s32 $0xFFFFC000  }
0x133: {  	p1 =	sne.s32 s1, $0x1;
	_ =	swait.ge [sflag:s5], $0x4000  }
.Ltmp2:
0x134: {  	[sflag:s5] =	ssyncset.done $0x0;
	(pc) =	sbr.rel @p1 .LBB2_4-.Ltmp2, $4  }
0x135: {  	s18 =	rddreg [dreg:$0x5];
	[sflag:s5] =	ssyncadd.s32 $0xFFFFC000  }
0x136: {  	[hbm4b:s18+s2] =	stream.linear.scatter [tilespmem:s4], [sflag:$0x3], $0x10000, $0x38;
	[tilespmem:$0x10E00] =	vst v63  }
0x137: {  	_ =	swait.ge [sflag:s3], $0x10000  }
0x138: {  	s1 =	sadd.s32 $0xFFFFFFFF, s1;
	s0 =	rddreg [dreg:$0x4];
	[sflag:s3] =	ssyncset.done $0x0  }
0x139: {  	s18 =	simm.s32 $0xC80  }
0x13a: {  	s31 =	simm.s32 $0xD80;
	s30 =	simm.s32 $0xB80;
	s29 =	simm.s32 $0x980  }
0x13b: {  	s28 =	simm.s32 $0x780;
	s26 =	simm.s32 $0x580;
	s25 =	simm.s32 $0xD00  }
0x13c: {  	s24 =	simm.s32 $0xB00;
	s23 =	simm.s32 $0x900;
	s22 =	simm.s32 $0x700  }
0x13d: {  	s21 =	simm.s32 $0x500;
	s20 =	simm.s32 $0x300;
	s19 =	simm.s32 $0x380  }
.LBB2_6:
0x13e: {  	[sflag:s3] =	ssyncadd.s32 @p0 $0xFFFF0000  }
0x13f: {  	[tilespmem:s2], [sflag:$0x3] =	stream.linear.gather [hbm4b:s0+s2], $0xE00, $0x38;
	[tilespmem:$0x10E00] =	vst v63  }
0x140: {  	_ =	swait.ge [sflag:s3], $0xE00  }
0x141: {  	[sflag:s3] =	ssyncset.done $0x0  }
0x142: {  	[sflag:s3] =	ssyncadd.s32 $0xFFFFF200  }
0x143: {  	[tilespmem:s4], [sflag:$0x1] =	stream.indirect.gather [hbm4b:s13+s12], $0x80, s2, s12, $0xb8;
	[tilespmem:$0x10E00] =	vst v63  }
0x144: {  	_ = 	snop  }
0x145: {  	[tilespmem:s17], [sflag:$0x1] =	stream.indirect.gather [hbm4b:s13+s12], $0x80, s12, s12, $0xb8;
	[tilespmem:$0x10E00] =	vst v63  }
0x146: {  	s0 =	rddreg [dreg:$0x6]  }
0x147: {  	[tilespmem:s15], [sflag:$0x1] =	stream.indirect.gather [hbm4b:s13+s12], $0x80, s0, s12, $0xb8;
	[tilespmem:$0x10E00] =	vst v63  }
0x148: {  	s1 =	rddreg [dreg:$0x7]  }
0x149: {  	[tilespmem:s14], [sflag:$0x1] =	stream.indirect.gather [hbm4b:s13+s12], $0x80, s1, s12, $0xb8;
	[tilespmem:$0x10E00] =	vst v63  }
0x14a: {  	_ =	swait.ge [sflag:s16], $0x4000  }
0x14b: {  	[sflag:s16] =	ssyncset.done $0x0  }
0x14c: {  	s1 =	rddreg [dreg:$0x8];
	[sflag:s16] =	ssyncadd.s32 $0xFFFFC000  }
0x14d: {  	[tilespmem:s4], [sflag:$0x2] =	stream.indirect.gather.add.f32 [hbm:s6], $0x80, s1, s12, $0xb8;
	[tilespmem:$0x10E00] =	vst v63  }
0x14e: {  	s13 =	rddreg [dreg:$0x9]  }
0x14f: {  	[tilespmem:s4], [sflag:$0x2] =	stream.indirect.gather.add.f32 [hbm:s7], $0x80, s13, s12, $0xb8;
	[tilespmem:$0x10E00] =	vst v63  }
0x150: {  	s0 =	rddreg [dreg:$0xa]  }
0x151: {  	[tilespmem:s4], [sflag:$0x2] =	stream.indirect.gather.add.f32 [hbm:s8], $0x80, s0, s12, $0xb8;
	[tilespmem:$0x10E00] =	vst v63  }
0x152: {  	s13 =	rddreg [dreg:$0xb]  }
0x153: {  	[tilespmem:s4], [sflag:$0x2] =	stream.indirect.gather.add.f32 [hbm:s9], $0x80, s13, s12, $0xb8;
	[tilespmem:$0x10E00] =	vst v63  }
0x154: {  	s0 =	rddreg [dreg:$0xc]  }
0x155: {  	[tilespmem:s4], [sflag:$0x2] =	stream.indirect.gather.add.f32 [hbm:s10], $0x80, s0, s12, $0xb8;
	[tilespmem:$0x10E00] =	vst v63  }
0x156: {  	s13 =	rddreg [dreg:$0xd]  }
0x157: {  	[tilespmem:s4], [sflag:$0x2] =	stream.indirect.gather.add.f32 [hbm:s11], $0x80, s13, s12, $0xb8;
	[tilespmem:$0x10E00] =	vst v63  }
0x158: {  	_ =	swait.ge [sflag:s16], $0x4000  }
0x159: {  	[sflag:s16] =	ssyncset.done $0x0  }
0x15a: {  	s13 =	rddreg [dreg:$0xe];
	[sflag:s16] =	ssyncadd.s32 $0xFFFFC000  }
0x15b: {  	[tilespmem:s17], [sflag:$0x2] =	stream.indirect.gather.add.f32 [hbm:s6], $0x80, s13, s12, $0xb8;
	[tilespmem:$0x10E00] =	vst v63  }
0x15c: {  	s1 =	rddreg [dreg:$0xf]  }
0x15d: {  	[tilespmem:s17], [sflag:$0x2] =	stream.indirect.gather.add.f32 [hbm:s7], $0x80, s1, s12, $0xb8;
	[tilespmem:$0x10E00] =	vst v63  }
0x15e: {  	s13 =	rddreg [dreg:$0x10]  }
0x15f: {  	[tilespmem:s17], [sflag:$0x2] =	stream.indirect.gather.add.f32 [hbm:s8], $0x80, s13, s12, $0xb8;
	[tilespmem:$0x10E00] =	vst v63  }
0x160: {  	s1 =	rddreg [dreg:$0x11]  }
0x161: {  	[tilespmem:s17], [sflag:$0x2] =	stream.indirect.gather.add.f32 [hbm:s9], $0x80, s1, s12, $0xb8;
	[tilespmem:$0x10E00] =	vst v63  }
0x162: {  	s13 =	rddreg [dreg:$0x12]  }
0x163: {  	[tilespmem:s17], [sflag:$0x2] =	stream.indirect.gather.add.f32 [hbm:s10], $0x80, s13, s12, $0xb8;
	[tilespmem:$0x10E00] =	vst v63  }
0x164: {  	_ = 	snop  }
0x165: {  	[tilespmem:s17], [sflag:$0x2] =	stream.indirect.gather.add.f32 [hbm:s11], $0x80, s18, s12, $0xb8;
	[tilespmem:$0x10E00] =	vst v63  }
0x166: {  	_ =	swait.ge [sflag:s16], $0x4000  }
0x167: {  	[sflag:s16] =	ssyncset.done $0x0  }
0x168: {  	[sflag:s16] =	ssyncadd.s32 $0xFFFFC000  }
0x169: {  	[tilespmem:s15], [sflag:$0x2] =	stream.indirect.gather.add.f32 [hbm:s6], $0x80, s20, s12, $0xb8;
	[tilespmem:$0x10E00] =	vst v63  }
0x16a: {  	_ = 	snop  }
0x16b: {  	[tilespmem:s15], [sflag:$0x2] =	stream.indirect.gather.add.f32 [hbm:s7], $0x80, s21, s12, $0xb8;
	[tilespmem:$0x10E00] =	vst v63  }
0x16c: {  	_ = 	snop  }
0x16d: {  	[tilespmem:s15], [sflag:$0x2] =	stream.indirect.gather.add.f32 [hbm:s8], $0x80, s22, s12, $0xb8;
	[tilespmem:$0x10E00] =	vst v63  }
0x16e: {  	_ = 	snop  }
0x16f: {  	[tilespmem:s15], [sflag:$0x2] =	stream.indirect.gather.add.f32 [hbm:s9], $0x80, s23, s12, $0xb8;
	[tilespmem:$0x10E00] =	vst v63  }
0x170: {  	_ = 	snop  }
0x171: {  	[tilespmem:s15], [sflag:$0x2] =	stream.indirect.gather.add.f32 [hbm:s10], $0x80, s24, s12, $0xb8;
	[tilespmem:$0x10E00] =	vst v63  }
0x172: {  	_ = 	snop  }
0x173: {  	[tilespmem:s15], [sflag:$0x2] =	stream.indirect.gather.add.f32 [hbm:s11], $0x80, s25, s12, $0xb8;
	[tilespmem:$0x10E00] =	vst v63  }
0x174: {  	_ =	swait.ge [sflag:s16], $0x4000  }
0x175: {  	[sflag:s16] =	ssyncset.done $0x0  }
0x176: {  	[sflag:s16] =	ssyncadd.s32 $0xFFFFC000  }
0x177: {  	[tilespmem:s14], [sflag:$0x2] =	stream.indirect.gather.add.f32 [hbm:s6], $0x80, s19, s12, $0xb8;
	[tilespmem:$0x10E00] =	vst v63  }
0x178: {  	_ = 	snop  }
0x179: {  	[tilespmem:s14], [sflag:$0x2] =	stream.indirect.gather.add.f32 [hbm:s7], $0x80, s26, s12, $0xb8;
	[tilespmem:$0x10E00] =	vst v63  }
0x17a: {  	_ = 	snop  }
0x17b: {  	[tilespmem:s14], [sflag:$0x2] =	stream.indirect.gather.add.f32 [hbm:s8], $0x80, s28, s12, $0xb8;
	[tilespmem:$0x10E00] =	vst v63  }
0x17c: {  	_ = 	snop  }
0x17d: {  	[tilespmem:s14], [sflag:$0x2] =	stream.indirect.gather.add.f32 [hbm:s9], $0x80, s29, s12, $0xb8;
	[tilespmem:$0x10E00] =	vst v63  }
0x17e: {  	_ = 	snop  }
0x17f: {  	[tilespmem:s14], [sflag:$0x2] =	stream.indirect.gather.add.f32 [hbm:s10], $0x80, s30, s12, $0xb8;
	[tilespmem:$0x10E00] =	vst v63  }
0x180: {  	_ = 	snop  }
0x181: {  	[tilespmem:s14], [sflag:$0x2] =	stream.indirect.gather.add.f32 [hbm:s11], $0x80, s31, s12, $0xb8;
	[tilespmem:$0x10E00] =	vst v63  }
0x182: {  	_ =	swait.ge [sflag:s5], $0x4000  }
0x183: {  	[sflag:s5] =	ssyncset.done $0x0  }
0x184: {  	[sflag:s5] =	ssyncadd.s32 $0xFFFFC000  }
0x185: {  	_ =	swait.ge [sflag:s5], $0x4000  }
0x186: {  	[sflag:s5] =	ssyncset.done $0x0  }
0x187: {  	[sflag:s5] =	ssyncadd.s32 $0xFFFFC000  }
0x188: {  	_ =	swait.ge [sflag:s5], $0x4000  }
0x189: {  	[sflag:s5] =	ssyncset.done $0x0  }
0x18a: {  	[sflag:s5] =	ssyncadd.s32 $0xFFFFC000  }
0x18b: {  	_ =	swait.ge [sflag:s5], $0x4000  }
0x18c: {  	[sflag:s5] =	ssyncset.done $0x0  }
0x18d: {  	[sflag:s5] =	ssyncadd.s32 $0xFFFFC000  }
0x18e: {  	_ =	swait.ge [sflag:s5], $0x4000  }
0x18f: {  	[sflag:s5] =	ssyncset.done $0x0  }
0x190: {  	[sflag:s5] =	ssyncadd.s32 $0xFFFFC000  }
0x191: {  	_ =	swait.ge [sflag:s5], $0x4000  }
0x192: {  	[sflag:s5] =	ssyncset.done $0x0  }
0x193: {  	[sflag:s5] =	ssyncadd.s32 $0xFFFFC000  }
0x194: {  	_ =	swait.ge [sflag:s5], $0x4000  }
0x195: {  	[sflag:s5] =	ssyncset.done $0x0  }
0x196: {  	[sflag:s5] =	ssyncadd.s32 $0xFFFFC000  }
0x197: {  	_ =	swait.ge [sflag:s5], $0x4000  }
0x198: {  	[sflag:s5] =	ssyncset.done $0x0  }
0x199: {  	[sflag:s5] =	ssyncadd.s32 $0xFFFFC000  }
0x19a: {  	_ =	swait.ge [sflag:s5], $0x4000  }
0x19b: {  	[sflag:s5] =	ssyncset.done $0x0  }
0x19c: {  	[sflag:s5] =	ssyncadd.s32 $0xFFFFC000  }
0x19d: {  	_ =	swait.ge [sflag:s5], $0x4000  }
0x19e: {  	[sflag:s5] =	ssyncset.done $0x0  }
0x19f: {  	[sflag:s5] =	ssyncadd.s32 $0xFFFFC000  }
0x1a0: {  	_ =	swait.ge [sflag:s5], $0x4000  }
0x1a1: {  	[sflag:s5] =	ssyncset.done $0x0  }
0x1a2: {  	[sflag:s5] =	ssyncadd.s32 $0xFFFFC000  }
0x1a3: {  	_ =	swait.ge [sflag:s5], $0x4000  }
0x1a4: {  	[sflag:s5] =	ssyncset.done $0x0  }
0x1a5: {  	[sflag:s5] =	ssyncadd.s32 $0xFFFFC000  }
0x1a6: {  	_ =	swait.ge [sflag:s5], $0x4000  }
0x1a7: {  	[sflag:s5] =	ssyncset.done $0x0  }
0x1a8: {  	[sflag:s5] =	ssyncadd.s32 $0xFFFFC000  }
0x1a9: {  	_ =	swait.ge [sflag:s5], $0x4000  }
0x1aa: {  	[sflag:s5] =	ssyncset.done $0x0  }
0x1ab: {  	[sflag:s5] =	ssyncadd.s32 $0xFFFFC000  }
0x1ac: {  	_ =	swait.ge [sflag:s5], $0x4000  }
0x1ad: {  	[sflag:s5] =	ssyncset.done $0x0  }
0x1ae: {  	[sflag:s5] =	ssyncadd.s32 $0xFFFFC000  }
0x1af: {  	_ =	swait.ge [sflag:s5], $0x4000  }
0x1b0: {  	[sflag:s5] =	ssyncset.done $0x0  }
0x1b1: {  	[sflag:s5] =	ssyncadd.s32 $0xFFFFC000  }
0x1b2: {  	_ =	swait.ge [sflag:s5], $0x4000  }
0x1b3: {  	[sflag:s5] =	ssyncset.done $0x0  }
0x1b4: {  	[sflag:s5] =	ssyncadd.s32 $0xFFFFC000  }
0x1b5: {  	_ =	swait.ge [sflag:s5], $0x4000  }
0x1b6: {  	[sflag:s5] =	ssyncset.done $0x0  }
0x1b7: {  	[sflag:s5] =	ssyncadd.s32 $0xFFFFC000  }
0x1b8: {  	_ =	swait.ge [sflag:s5], $0x4000  }
0x1b9: {  	[sflag:s5] =	ssyncset.done $0x0  }
0x1ba: {  	[sflag:s5] =	ssyncadd.s32 $0xFFFFC000  }
0x1bb: {  	_ =	swait.ge [sflag:s5], $0x4000  }
0x1bc: {  	[sflag:s5] =	ssyncset.done $0x0  }
0x1bd: {  	[sflag:s5] =	ssyncadd.s32 $0xFFFFC000  }
0x1be: {  	_ =	swait.ge [sflag:s5], $0x4000  }
0x1bf: {  	[sflag:s5] =	ssyncset.done $0x0  }
0x1c0: {  	[sflag:s5] =	ssyncadd.s32 $0xFFFFC000  }
0x1c1: {  	_ =	swait.ge [sflag:s5], $0x4000  }
0x1c2: {  	[sflag:s5] =	ssyncset.done $0x0  }
0x1c3: {  	[sflag:s5] =	ssyncadd.s32 $0xFFFFC000  }
0x1c4: {  	_ =	swait.ge [sflag:s5], $0x4000  }
0x1c5: {  	[sflag:s5] =	ssyncset.done $0x0  }
0x1c6: {  	[sflag:s5] =	ssyncadd.s32 $0xFFFFC000  }
0x1c7: {  	_ =	swait.ge [sflag:s5], $0x4000  }
0x1c8: {  	[sflag:s5] =	ssyncset.done $0x0  }
0x1c9: {  	s30 =	rddreg [dreg:$0x5];
	[sflag:s5] =	ssyncadd.s32 $0xFFFFC000  }
0x1ca: {  	[hbm4b:s30+s2] =	stream.linear.scatter [tilespmem:s4], [sflag:$0x3], $0x10000, $0x38;
	[tilespmem:$0x10E00] =	vst v63  }
0x1cb: {  	_ =	swait.ge [sflag:s3], $0x10000  }
0x1cc: {  	[sflag:s3] =	ssyncset.done $0x0  }
0x1cd: {  	[sflag:s3] =	ssyncadd.s32 $0xFFFF0000  }
0x1ce: {  	_ =	sfence.sel $0x180000  }
0x1cf: {  	[bflag:$0x0] =	sbarrier.arrive $0xFFFF  }
0x1d0: {  	_ =	strace $0x90000047  }
0x1d1: {  	s31 =	stileid.u32;
	[bflag:$0x2] =	sbarrier.arrive $0xFFFF  }
0x1d2: {  	p0 =	sne.s32 s31, $0x0;
	s0 =	rddreg [dreg:$0x3]  }
0x1d3: {  	s0 =	sadd.s32 @!p0 $0x100000, s0  }
0x1d4: {  	[sflag:s0] =	ssyncadd.tile.s32 @!p0 $0x1;
	_ =	shalt  }
.LBB2_1:
.Ltmp3:
0x1d5: {  	s18 =	simm.s32 $0xC80;
	(pc) =	sbr.rel .LBB2_6-.Ltmp3, $4  }
0x1d6: {  	s31 =	simm.s32 $0xD80;
	s30 =	simm.s32 $0xB80;
	s29 =	simm.s32 $0x980  }
0x1d7: {  	s28 =	simm.s32 $0x780;
	s26 =	simm.s32 $0x580;
	s25 =	simm.s32 $0xD00  }
0x1d8: {  	s24 =	simm.s32 $0xB00;
	s23 =	simm.s32 $0x900;
	s22 =	simm.s32 $0x700  }
0x1d9: {  	s21 =	simm.s32 $0x500;
	s20 =	simm.s32 $0x300;
	s19 =	simm.s32 $0x380  }
.LBB2_3:
.Ltmp4:
0x1da: {  	s18 =	simm.s32 $0xC80;
	(pc) =	sbr.rel .LBB2_6-.Ltmp4, $4  }
0x1db: {  	s31 =	simm.s32 $0xD80;
	s30 =	simm.s32 $0xB80;
	s29 =	simm.s32 $0x980  }
0x1dc: {  	s28 =	simm.s32 $0x780;
	s26 =	simm.s32 $0x580;
	s25 =	simm.s32 $0xD00  }
0x1dd: {  	s24 =	simm.s32 $0xB00;
	s23 =	simm.s32 $0x900;
	s22 =	simm.s32 $0x700  }
0x1de: {  	s21 =	simm.s32 $0x500;
	s20 =	simm.s32 $0x300;
	s19 =	simm.s32 $0x380  }
.Lfunc_end2:
_tile_overlayer_lowered:
.L_overlay_start_2:
0x1df: {  	(tag) =	ssettag $0x2  }
0x1e0: {  	s0 =	rddreg [dreg:$0x0];
	s2 =	stileid.u32  }
0x1e1: {  	s1 =	rddreg [dreg:$0x1];
	p0 =	sne.s32 s2, $0x0  }
0x1e2: {  	s3 =	rddreg [dreg:$0x2];
	[bflag:$0x3] =	sbarrier.arrive $0xFFFF;
	s2 =	simm.s32 @!p0 $0x1C03  }
0x1e3: {  	[timem:s3], [sflag:s2] =	dma.local @!p0 [hbm:s0], s1  }
0x1e4: {  	s0 =	simm.s32 @!p0 $0x3  }
0x1e5: {  	_ =	swait.ge @!p0 [sflag:s0], s1  }
0x1e6: {  	s1 =	ssub.s32 @!p0 $0x0, s1;
	[sflag:s0] =	ssyncset.done @!p0 $0x0  }
0x1e7: {  	[sflag:s0] =	ssyncadd.s32 @!p0 s1  }
0x1e8: {  	[bflag:$0x3] =	sbarrier.arrive $0xFFFF  }
0x1e9: {  	_ =	shalt  }

</sc_bundles>
